<compile_context>
chip_gen: v7x
topology: tpu7x:2x2x1
jax: 0.10.2.dev20260603
libtpu: 0.0.44.dev20260713+nightly
codegen_flags: <defaults>
</compile_context>

<pallas_src>
import functools

import jax
import jax.numpy as jnp
from jax import lax
from jax.experimental import pallas as pl
from jax.experimental.pallas import tpu as pltpu
from jax.experimental.pallas import tpu_sc as plsc

T = 2048
D = 1024
DFF = 2048
E = 8
K = 2
ALPHA = 0.001

B = 256
NB = (K * T) // B + E
NBB = NB * B
LANES = 128
NEG = -1e30


def _gate_body(x_ref, wg_ref, bias_ref, probs_ref, ti_ref, tw_ref):
    s = lax.dot_general(x_ref[...], wg_ref[...], (((1,), (1,)), ((), ())),
                        preferred_element_type=jnp.float32)
    col = lax.broadcasted_iota(jnp.int32, s.shape, 1)
    valid = col < E
    s = jnp.where(valid, s, NEG)
    m = jnp.max(s, axis=1, keepdims=True)
    p = jnp.exp(s - m)
    p = jnp.where(valid, p, 0.0)
    probs = p / jnp.sum(p, axis=1, keepdims=True)
    biased = probs + bias_ref[...][0:1, :]
    biased = jnp.where(valid, biased, NEG)
    m1 = jnp.max(biased, axis=1, keepdims=True)
    i1 = jnp.min(jnp.where(biased == m1, col, LANES), axis=1, keepdims=True)
    b2 = jnp.where(col == i1, NEG, biased)
    m2 = jnp.max(b2, axis=1, keepdims=True)
    i2 = jnp.min(jnp.where(b2 == m2, col, LANES), axis=1, keepdims=True)
    w1 = jnp.sum(jnp.where(col == i1, probs, 0.0), axis=1, keepdims=True)
    w2 = jnp.sum(jnp.where(col == i2, probs, 0.0), axis=1, keepdims=True)
    colE = col[:, :E]
    probs_ref[...] = probs[:, :E]
    ti_ref[...] = jnp.where(colE == 0, i1, jnp.where(colE == 1, i2, 0))
    tw_ref[...] = jnp.where(colE == 0, w1, jnp.where(colE == 1, w2, 0.0))


def _gate(x, Wg, gate_bias):
    bt = 256
    wg_pad = jnp.zeros((LANES, D), jnp.float32).at[:E].set(Wg)
    bias_pad = jnp.zeros((8, LANES), jnp.float32).at[0, :E].set(gate_bias)
    return pl.pallas_call(
        _gate_body,
        grid=(T // bt,),
        in_specs=[
            pl.BlockSpec((bt, D), lambda i: (i, 0)),
            pl.BlockSpec((LANES, D), lambda i: (0, 0)),
            pl.BlockSpec((8, LANES), lambda i: (0, 0)),
        ],
        out_specs=[
            pl.BlockSpec((bt, E), lambda i: (i, 0)),
            pl.BlockSpec((bt, E), lambda i: (i, 0)),
            pl.BlockSpec((bt, E), lambda i: (i, 0)),
        ],
        out_shape=[
            jax.ShapeDtypeStruct((T, E), jnp.float32),
            jax.ShapeDtypeStruct((T, E), jnp.int32),
            jax.ShapeDtypeStruct((T, E), jnp.float32),
        ],
    )(x, wg_pad, bias_pad)


def _make_sc_gather(n_rows, chunk):
    info = plsc.get_sparse_core_info()
    nw = info.num_cores * info.num_subcores
    per_w = n_rows // nw
    assert n_rows % nw == 0 and per_w % chunk == 0 and chunk % 8 == 0
    n_iter = per_w // chunk
    nbuf = min(2, n_iter)
    mesh = plsc.VectorSubcoreMesh(core_axis_name="c", subcore_axis_name="s")

    @functools.partial(
        pl.kernel, mesh=mesh,
        out_type=jax.ShapeDtypeStruct((n_rows, D), jnp.float32),
        scratch_types=[
            pltpu.VMEM((per_w,), jnp.int32),
            pltpu.VMEM((nbuf, chunk, D), jnp.float32),
            pltpu.SemaphoreType.DMA,
            pltpu.SemaphoreType.DMA,
            pltpu.SemaphoreType.DMA,
            pltpu.SemaphoreType.DMA,
        ],
    )
    def k(table_hbm, idx_hbm, out_hbm, idx_v, rows_v, gs0, gs1, ss0, ss1):
        wid = lax.axis_index("s") * info.num_cores + lax.axis_index("c")
        base = wid * per_w
        pltpu.sync_copy(idx_hbm.at[pl.ds(base, per_w)], idx_v)
        gsems = [gs0, gs1]
        ssems = [ss0, ss1]
        gat = [None, None]
        scat = [None, None]
        for i in range(n_iter + 1):
            b = i % nbuf
            if i < n_iter:
                if scat[b] is not None:
                    scat[b].wait()
                    scat[b] = None
                gat[b] = pltpu.async_copy(
                    table_hbm.at[idx_v.at[pl.ds(i * chunk, chunk)]],
                    rows_v.at[b], gsems[b])
            if i >= 1:
                pb = (i - 1) % nbuf
                gat[pb].wait()
                scat[pb] = pltpu.async_copy(
                    rows_v.at[pb],
                    out_hbm.at[pl.ds(base + (i - 1) * chunk, chunk)],
                    ssems[pb])
        for b in range(nbuf):
            if scat[b] is not None:
                scat[b].wait()

    return k


def _routed_body(be_ref, xs_ref, wfc_ref, bfc_ref, wproj_ref, bproj_ref,
                 out_ref):
    h = lax.dot_general(xs_ref[...], wfc_ref[...][0], (((1,), (1,)), ((), ())),
                        preferred_element_type=jnp.float32)
    h = h + bfc_ref[...][0]
    h = h * jax.nn.sigmoid(h)
    o = lax.dot_general(h, wproj_ref[...][0], (((1,), (1,)), ((), ())),
                        preferred_element_type=jnp.float32)
    out_ref[...] = o + bproj_ref[...][0]


def _routed_mlp(xs, Wfc, bfc, Wproj, bproj, be):
    grid_spec = pltpu.PrefetchScalarGridSpec(
        num_scalar_prefetch=1,
        grid=(NB,),
        in_specs=[
            pl.BlockSpec((B, D), lambda i, be: (i, 0)),
            pl.BlockSpec((1, DFF, D), lambda i, be: (be[i], 0, 0)),
            pl.BlockSpec((1, 1, DFF), lambda i, be: (be[i], 0, 0)),
            pl.BlockSpec((1, D, DFF), lambda i, be: (be[i], 0, 0)),
            pl.BlockSpec((1, 1, D), lambda i, be: (be[i], 0, 0)),
        ],
        out_specs=pl.BlockSpec((B, D), lambda i, be: (i, 0)),
    )
    return pl.pallas_call(
        _routed_body,
        grid_spec=grid_spec,
        out_shape=jax.ShapeDtypeStruct((NBB, D), jnp.float32),
        compiler_params=pltpu.CompilerParams(
            dimension_semantics=("arbitrary",),
            vmem_limit_bytes=100 * 1024 * 1024),
    )(be, xs, Wfc, bfc[:, None, :], Wproj, bproj[:, None, :])


def _shared_body(x_ref, wsfc_ref, bsfc_ref, wsproj_ref, bsproj_ref, z_ref):
    h = lax.dot_general(x_ref[...], wsfc_ref[...], (((1,), (1,)), ((), ())),
                        preferred_element_type=jnp.float32)
    h = h + bsfc_ref[...][0][None, :]
    h = h * jax.nn.sigmoid(h)
    z = lax.dot_general(h, wsproj_ref[...], (((1,), (1,)), ((), ())),
                        preferred_element_type=jnp.float32)
    z_ref[...] = z + bsproj_ref[...][0][None, :]


def _shared_mlp(x, Ws_fc, bs_fc, Ws_proj, bs_proj):
    bt = 256
    return pl.pallas_call(
        _shared_body,
        grid=(T // bt,),
        in_specs=[
            pl.BlockSpec((bt, D), lambda i: (i, 0)),
            pl.BlockSpec((DFF, D), lambda i: (0, 0)),
            pl.BlockSpec((1, DFF), lambda i: (0, 0)),
            pl.BlockSpec((D, DFF), lambda i: (0, 0)),
            pl.BlockSpec((1, D), lambda i: (0, 0)),
        ],
        out_specs=pl.BlockSpec((bt, D), lambda i: (i, 0)),
        out_shape=jax.ShapeDtypeStruct((T, D), jnp.float32),
    )(x, Ws_fc, bs_fc[None, :], Ws_proj, bs_proj[None, :])


def _add3_body(z_ref, g0_ref, g1_ref, tw_ref, y_ref):
    w = tw_ref[...]
    y_ref[...] = (z_ref[...] + w[:, 0:1] * g0_ref[...]
                  + w[:, 1:2] * g1_ref[...])


def _add3(z, g0, g1, tw):
    bt = 512
    return pl.pallas_call(
        _add3_body,
        grid=(T // bt,),
        in_specs=[pl.BlockSpec((bt, D), lambda i: (i, 0))] * 3
        + [pl.BlockSpec((bt, E), lambda i: (i, 0))],
        out_specs=pl.BlockSpec((bt, D), lambda i: (i, 0)),
        out_shape=jax.ShapeDtypeStruct((T, D), jnp.float32),
    )(z, g0, g1, tw)


def kernel(x, Wg, gate_bias, Wfc, bfc, Wproj, bproj, Ws_fc, bs_fc, Ws_proj, bs_proj):
    probs, ti, tw = _gate(x, Wg, gate_bias)
    i1, i2 = ti[:, 0], ti[:, 1]

    e_f = jnp.stack([i1, i2], axis=1).reshape(-1)
    oh = (e_f[:, None] == jnp.arange(E)[None, :]).astype(jnp.int32)
    csum = jnp.cumsum(oh, axis=0)
    counts = csum[-1]
    rank = jnp.take_along_axis(csum, e_f[:, None], axis=1)[:, 0] - 1
    nb_e = (counts + B - 1) // B
    blk_start = jnp.cumsum(nb_e) - nb_e
    p = blk_start[e_f] * B + rank
    tok = jnp.repeat(jnp.arange(T, dtype=jnp.int32), K)
    src = (jnp.arange(NBB, dtype=jnp.int32) % T).at[p].set(
        tok, unique_indices=True)
    bidx = jnp.arange(NB)
    be = jnp.sum((bidx[:, None] >= blk_start[None, :]).astype(jnp.int32),
                 axis=1) - 1
    be = jnp.clip(be, 0, E - 1).astype(jnp.int32)
    pos0, pos1 = p[0::K], p[1::K]

    z = _shared_mlp(x, Ws_fc, bs_fc, Ws_proj, bs_proj)
    xs = _make_sc_gather(NBB, 48)(x, src)
    contrib = _routed_mlp(xs, Wfc, bfc, Wproj, bproj, be)
    g0 = _make_sc_gather(T, 64)(contrib, pos0.astype(jnp.int32))
    g1 = _make_sc_gather(T, 64)(contrib, pos1.astype(jnp.int32))
    y = _add3(z, g0, g1, tw)

    expert_probs = probs.mean(axis=0)
    f_i = counts.astype(jnp.float32) * E / (K * T + 1e-06)
    load_balance_loss = ALPHA * jnp.sum(f_i * expert_probs)
    return (y, load_balance_loss)

# --- scband reference (transcript-rebuilt; emitter-appended) ---
"""Pipeline reference for scband-mo-e-48223892799904 (READ-ONLY COPY).

The authoritative reference and input builder live on the scoring server;
editing this copy changes nothing except your own understanding.
"""

import jax, jax.numpy as jnp
import numpy as np

T = 2048
D = 1024
DFF = 2048
E = 8
K = 2
ALPHA = 0.001


def setup_inputs(seed: int = 0) -> dict:
    key = jax.random.key(seed)
    ks = jax.random.split(key, 8)
    x = jax.random.normal(ks[0], (T, D), dtype=jnp.float32)
    Wg = jax.random.normal(ks[1], (E, D), dtype=jnp.float32) * 0.02
    gate_bias = jnp.zeros((E,), dtype=jnp.float32)
    Wfc = jax.random.normal(ks[2], (E, DFF, D), dtype=jnp.float32) * 0.02
    bfc = jnp.zeros((E, DFF), dtype=jnp.float32)
    Wproj = jax.random.normal(ks[3], (E, D, DFF), dtype=jnp.float32) * 0.02
    bproj = jnp.zeros((E, D), dtype=jnp.float32)
    Ws_fc = jax.random.normal(ks[4], (DFF, D), dtype=jnp.float32) * 0.02
    bs_fc = jnp.zeros((DFF,), dtype=jnp.float32)
    Ws_proj = jax.random.normal(ks[5], (D, DFF), dtype=jnp.float32) * 0.02
    bs_proj = jnp.zeros((D,), dtype=jnp.float32)
    return {
        'x': x, 'Wg': Wg, 'gate_bias': gate_bias,
        'Wfc': Wfc, 'bfc': bfc, 'Wproj': Wproj, 'bproj': bproj,
        'Ws_fc': Ws_fc, 'bs_fc': bs_fc, 'Ws_proj': Ws_proj, 'bs_proj': bs_proj,
    }


def _mlp(x, Wf, bf, Wp, bp):
    h = x @ Wf.T + bf
    h = jax.nn.silu(h)
    return h @ Wp.T + bp


def reference(x, Wg, gate_bias, Wfc, bfc, Wproj, bproj, Ws_fc, bs_fc, Ws_proj, bs_proj):
    # Gate
    scores = x @ Wg.T
    probs = jax.nn.softmax(scores.astype(jnp.float32), axis=-1)
    biased = probs + gate_bias
    _, indices = jax.lax.top_k(biased, K)
    weights = jnp.take_along_axis(probs, indices, axis=-1).astype(x.dtype)
    counts = jnp.bincount(indices.reshape(-1), length=E)
    expert_probs = probs.mean(axis=0)
    Ttok = x.shape[0]
    f_i = counts.astype(jnp.float32) * E / (K * Ttok + 1e-06)
    # Routed experts: dense-masked compute (mathematically identical to
    # index_add over routed tokens, since unrouted tokens get weight 0)
    y = jnp.zeros_like(x)
    for i in range(E):
        w_i = jnp.sum(weights * (indices == i).astype(weights.dtype), axis=-1)
        y = y + _mlp(x, Wfc[i], bfc[i], Wproj[i], bproj[i]) * w_i[:, None]
    # Shared expert
    z = _mlp(x, Ws_fc, bs_fc, Ws_proj, bs_proj)
    load_balance_loss = ALPHA * jnp.sum(f_i * expert_probs)
    return (y + z, load_balance_loss)

if __name__ == "__main__":
    import jax
    _d = setup_inputs()
    print(jax.jit(kernel)(*tuple(_d.values())))

</pallas_src>

<mosaic_0001>
#map = affine_map<(d0, d1) -> (0, 0)>
#map1 = affine_map<(d0, d1) -> (0)>
module attributes {stable_mosaic.version = 14 : i64} {
  func.func @k(%arg0: i32, %arg1: i32, %arg2: memref<6144x1024xf32, #tpu.memory_space<hbm>>, %arg3: memref<2048xi32, #tpu.memory_space<hbm>>, %arg4: memref<2048x1024xf32, #tpu.memory_space<hbm>>, %arg5: memref<64xi32, #tpu.memory_space<vmem>>, %arg6: memref<1x64x1024xf32, #tpu.memory_space<vmem>>, %arg7: memref<!tpu.dma_semaphore, #tpu.memory_space<semaphore_mem>>, %arg8: memref<!tpu.dma_semaphore, #tpu.memory_space<semaphore_mem>>, %arg9: memref<!tpu.dma_semaphore, #tpu.memory_space<semaphore_mem>>, %arg10: memref<!tpu.dma_semaphore, #tpu.memory_space<semaphore_mem>>) attributes {dimension_semantics = [#tpu.dimension_semantics<core_parallel>, #tpu.dimension_semantics<subcore_parallel>], iteration_bounds = array<i64: 2, 16>, scalar_prefetch = 0 : i64, scratch_operands = 6 : i64, tpu.core_type = #tpu.core_type<sc_vector_subcore>, window_params = [{transform_indices = #map}, {transform_indices = #map1}, {transform_indices = #map}]} {
    %mul3A = arith.constant 2 : i32
    %mul3A_0 = arith.muli %arg1, %mul3A : i32
    %add3A = arith.addi %mul3A_0, %arg0 : i32
    %mul3A_1 = arith.constant 64 : i32
    %mul3A_2 = arith.muli %add3A, %mul3A_1 : i32
    "tpu.region"() ({
      %run_scoped3A = tpu.sem_alloc : memref<!tpu.dma_semaphore, #tpu.memory_space<semaphore_mem>>
      %dma_start3A_49 = tpu.memref_slice %arg3[%mul3A_2] : memref<2048xi32, #tpu.memory_space<hbm>> -> memref<64xi32, #tpu.memory_space<hbm>>
      %dma_start3A_50 = tpu.memref_slice %arg3[%mul3A_2] : memref<2048xi32, #tpu.memory_space<hbm>> -> memref<64xi32, #tpu.memory_space<hbm>>
      tpu.enqueue_dma source(%dma_start3A_50 : memref<64xi32, #tpu.memory_space<hbm>>) target(%arg5 : memref<64xi32, #tpu.memory_space<vmem>>) target_semaphore(%run_scoped3A : memref<!tpu.dma_semaphore, #tpu.memory_space<semaphore_mem>>)
      %dma_wait3A_51 = tpu.memref_slice %arg3[%mul3A_2] : memref<2048xi32, #tpu.memory_space<hbm>> -> memref<64xi32, #tpu.memory_space<hbm>>
      %dma_wait3A_52 = tpu.memref_slice %arg3[%mul3A_2] : memref<2048xi32, #tpu.memory_space<hbm>> -> memref<64xi32, #tpu.memory_space<hbm>>
      tpu.wait_dma2 semaphore(%run_scoped3A : memref<!tpu.dma_semaphore, #tpu.memory_space<semaphore_mem>>) src(%dma_wait3A_52 : memref<64xi32, #tpu.memory_space<hbm>>) dst(%arg5 : memref<64xi32, #tpu.memory_space<vmem>>)
      tpu.yield
    }) : () -> ()
    %dma_start3A = arith.constant 0 : i32
    %dma_start3A_3 = arith.constant 0 : i32
    %dma_start3A_4 = arith.constant 0 : i32
    %dma_start3A_5 = tpu.memref_slice %arg6[%dma_start3A, %dma_start3A_3, %dma_start3A_4] : memref<1x64x1024xf32, #tpu.memory_space<vmem>> -> memref<1x64x1024xf32, #tpu.memory_space<vmem>>
    %dma_start3A_6 = tpu.memref_squeeze %dma_start3A_5 : memref<1x64x1024xf32, #tpu.memory_space<vmem>> -> memref<64x1024xf32, #tpu.memory_space<vmem>>
    %dma_start3A_7 = arith.constant 0 : i32
    %dma_start3A_8 = tpu.memref_slice %arg5[%dma_start3A_7] : memref<64xi32, #tpu.memory_space<vmem>> -> memref<64xi32, #tpu.memory_space<vmem>>
    %dma_start3A_9 = arith.constant 0 : i32
    %dma_start3A_10 = arith.constant 0 : i32
    %dma_start3A_11 = tpu.memref_slice %arg2[%dma_start3A_9, %dma_start3A_10] : memref<6144x1024xf32, #tpu.memory_space<hbm>> -> memref<6144x1024xf32, #tpu.memory_space<hbm>>
    tpu.enqueue_indirect_dma source(%dma_start3A_11 : memref<6144x1024xf32, #tpu.memory_space<hbm>>) target(%dma_start3A_6 : memref<64x1024xf32, #tpu.memory_space<vmem>>) offsets(%dma_start3A_8 : memref<64xi32, #tpu.memory_space<vmem>>) semaphore(%arg7 : memref<!tpu.dma_semaphore, #tpu.memory_space<semaphore_mem>>)
    %dma_wait3A = arith.constant 0 : i32
    %dma_wait3A_12 = arith.constant 0 : i32
    %dma_wait3A_13 = arith.constant 0 : i32
    %dma_wait3A_14 = tpu.memref_slice %arg6[%dma_wait3A, %dma_wait3A_12, %dma_wait3A_13] : memref<1x64x1024xf32, #tpu.memory_space<vmem>> -> memref<1x64x1024xf32, #tpu.memory_space<vmem>>
    %dma_wait3A_15 = tpu.memref_squeeze %dma_wait3A_14 : memref<1x64x1024xf32, #tpu.memory_space<vmem>> -> memref<64x1024xf32, #tpu.memory_space<vmem>>
    %dma_wait3A_16 = arith.constant 0 : i32
    %dma_wait3A_17 = tpu.memref_slice %arg5[%dma_wait3A_16] : memref<64xi32, #tpu.memory_space<vmem>> -> memref<64xi32, #tpu.memory_space<vmem>>
    %dma_wait3A_18 = arith.constant 0 : i32
    %dma_wait3A_19 = arith.constant 0 : i32
    %dma_wait3A_20 = tpu.memref_slice %arg2[%dma_wait3A_18, %dma_wait3A_19] : memref<6144x1024xf32, #tpu.memory_space<hbm>> -> memref<6144x1024xf32, #tpu.memory_space<hbm>>
    tpu.wait_indirect_dma semaphore(%arg7 : memref<!tpu.dma_semaphore, #tpu.memory_space<semaphore_mem>>) src(%dma_wait3A_20 : memref<6144x1024xf32, #tpu.memory_space<hbm>>) dst(%dma_wait3A_15 : memref<64x1024xf32, #tpu.memory_space<vmem>>)
    %add3A_21 = arith.constant 0 : i32
    %add3A_22 = arith.addi %mul3A_2, %add3A_21 : i32
    %dma_start3A_23 = arith.constant 0 : i32
    %dma_start3A_24 = arith.constant 0 : i32
    %dma_start3A_25 = arith.constant 0 : i32
    %dma_start3A_26 = tpu.memref_slice %arg6[%dma_start3A_23, %dma_start3A_24, %dma_start3A_25] : memref<1x64x1024xf32, #tpu.memory_space<vmem>> -> memref<1x64x1024xf32, #tpu.memory_space<vmem>>
    %dma_start3A_27 = tpu.memref_squeeze %dma_start3A_26 : memref<1x64x1024xf32, #tpu.memory_space<vmem>> -> memref<64x1024xf32, #tpu.memory_space<vmem>>
    %dma_start3A_28 = arith.constant 0 : i32
    %dma_start3A_29 = tpu.memref_slice %arg4[%add3A_22, %dma_start3A_28] : memref<2048x1024xf32, #tpu.memory_space<hbm>> -> memref<64x1024xf32, #tpu.memory_space<hbm>>
    %dma_start3A_30 = arith.constant 0 : i32
    %dma_start3A_31 = tpu.memref_slice %arg4[%add3A_22, %dma_start3A_30] : memref<2048x1024xf32, #tpu.memory_space<hbm>> -> memref<64x1024xf32, #tpu.memory_space<hbm>>
    %dma_start3A_32 = arith.constant 0 : i32
    %dma_start3A_33 = arith.constant 0 : i32
    %dma_start3A_34 = tpu.memref_slice %arg6[%dma_start3A_23, %dma_start3A_32, %dma_start3A_33] : memref<1x64x1024xf32, #tpu.memory_space<vmem>> -> memref<1x64x1024xf32, #tpu.memory_space<vmem>>
    %dma_start3A_35 = tpu.memref_squeeze %dma_start3A_34 : memref<1x64x1024xf32, #tpu.memory_space<vmem>> -> memref<64x1024xf32, #tpu.memory_space<vmem>>
    tpu.enqueue_dma source(%dma_start3A_35 : memref<64x1024xf32, #tpu.memory_space<vmem>>) target(%dma_start3A_31 : memref<64x1024xf32, #tpu.memory_space<hbm>>) target_semaphore(%arg9 : memref<!tpu.dma_semaphore, #tpu.memory_space<semaphore_mem>>)
    %dma_wait3A_36 = arith.constant 0 : i32
    %dma_wait3A_37 = arith.constant 0 : i32
    %dma_wait3A_38 = arith.constant 0 : i32
    %dma_wait3A_39 = tpu.memref_slice %arg6[%dma_wait3A_36, %dma_wait3A_37, %dma_wait3A_38] : memref<1x64x1024xf32, #tpu.memory_space<vmem>> -> memref<1x64x1024xf32, #tpu.memory_space<vmem>>
    %dma_wait3A_40 = tpu.memref_squeeze %dma_wait3A_39 : memref<1x64x1024xf32, #tpu.memory_space<vmem>> -> memref<64x1024xf32, #tpu.memory_space<vmem>>
    %dma_wait3A_41 = arith.constant 0 : i32
    %dma_wait3A_42 = tpu.memref_slice %arg4[%add3A_22, %dma_wait3A_41] : memref<2048x1024xf32, #tpu.memory_space<hbm>> -> memref<64x1024xf32, #tpu.memory_space<hbm>>
    %dma_wait3A_43 = arith.constant 0 : i32
    %dma_wait3A_44 = tpu.memref_slice %arg4[%add3A_22, %dma_wait3A_43] : memref<2048x1024xf32, #tpu.memory_space<hbm>> -> memref<64x1024xf32, #tpu.memory_space<hbm>>
    %dma_wait3A_45 = arith.constant 0 : i32
    %dma_wait3A_46 = arith.constant 0 : i32
    %dma_wait3A_47 = tpu.memref_slice %arg6[%dma_wait3A_36, %dma_wait3A_45, %dma_wait3A_46] : memref<1x64x1024xf32, #tpu.memory_space<vmem>> -> memref<1x64x1024xf32, #tpu.memory_space<vmem>>
    %dma_wait3A_48 = tpu.memref_squeeze %dma_wait3A_47 : memref<1x64x1024xf32, #tpu.memory_space<vmem>> -> memref<64x1024xf32, #tpu.memory_space<vmem>>
    tpu.wait_dma2 semaphore(%arg9 : memref<!tpu.dma_semaphore, #tpu.memory_space<semaphore_mem>>) src(%dma_wait3A_48 : memref<64x1024xf32, #tpu.memory_space<vmem>>) dst(%dma_wait3A_44 : memref<64x1024xf32, #tpu.memory_space<hbm>>)
    return
  }
}

#map = affine_map<(d0, d1) -> (0, 0)>
#map1 = affine_map<(d0, d1) -> (0)>
module attributes {stable_mosaic.version = 14 : i64} {
  func.func @k(%arg0: i32, %arg1: i32, %arg2: memref<6144x1024xf32, #tpu.memory_space<hbm>>, %arg3: memref<2048xi32, #tpu.memory_space<hbm>>, %arg4: memref<2048x1024xf32, #tpu.memory_space<hbm>>, %arg5: memref<64xi32, #tpu.memory_space<vmem>>, %arg6: memref<1x64x1024xf32, #tpu.memory_space<vmem>>, %arg7: memref<!tpu.dma_semaphore, #tpu.memory_space<semaphore_mem>>, %arg8: memref<!tpu.dma_semaphore, #tpu.memory_space<semaphore_mem>>, %arg9: memref<!tpu.dma_semaphore, #tpu.memory_space<semaphore_mem>>, %arg10: memref<!tpu.dma_semaphore, #tpu.memory_space<semaphore_mem>>) attributes {dimension_semantics = [#tpu.dimension_semantics<core_parallel>, #tpu.dimension_semantics<subcore_parallel>], iteration_bounds = array<i64: 2, 16>, scalar_prefetch = 0 : i64, scratch_operands = 6 : i64, tpu.core_type = #tpu.core_type<sc_vector_subcore>, window_params = [{transform_indices = #map}, {transform_indices = #map1}, {transform_indices = #map}]} {
    %mul3A = arith.constant 2 : i32
    %mul3A_0 = arith.muli %arg1, %mul3A : i32
    %add3A = arith.addi %mul3A_0, %arg0 : i32
    %mul3A_1 = arith.constant 64 : i32
    %mul3A_2 = arith.muli %add3A, %mul3A_1 : i32
    "tpu.region"() ({
      %run_scoped3A = tpu.sem_alloc : memref<!tpu.dma_semaphore, #tpu.memory_space<semaphore_mem>>
      %dma_start3A_49 = tpu.memref_slice %arg3[%mul3A_2] : memref<2048xi32, #tpu.memory_space<hbm>> -> memref<64xi32, #tpu.memory_space<hbm>>
      %dma_start3A_50 = tpu.memref_slice %arg3[%mul3A_2] : memref<2048xi32, #tpu.memory_space<hbm>> -> memref<64xi32, #tpu.memory_space<hbm>>
      tpu.enqueue_dma source(%dma_start3A_50 : memref<64xi32, #tpu.memory_space<hbm>>) target(%arg5 : memref<64xi32, #tpu.memory_space<vmem>>) target_semaphore(%run_scoped3A : memref<!tpu.dma_semaphore, #tpu.memory_space<semaphore_mem>>)
      %dma_wait3A_51 = tpu.memref_slice %arg3[%mul3A_2] : memref<2048xi32, #tpu.memory_space<hbm>> -> memref<64xi32, #tpu.memory_space<hbm>>
      %dma_wait3A_52 = tpu.memref_slice %arg3[%mul3A_2] : memref<2048xi32, #tpu.memory_space<hbm>> -> memref<64xi32, #tpu.memory_space<hbm>>
      tpu.wait_dma2 semaphore(%run_scoped3A : memref<!tpu.dma_semaphore, #tpu.memory_space<semaphore_mem>>) src(%dma_wait3A_52 : memref<64xi32, #tpu.memory_space<hbm>>) dst(%arg5 : memref<64xi32, #tpu.memory_space<vmem>>)
      tpu.yield
    }) : () -> ()
    %dma_start3A = arith.constant 0 : i32
    %dma_start3A_3 = arith.constant 0 : i32
    %dma_start3A_4 = arith.constant 0 : i32
    %dma_start3A_5 = tpu.memref_slice %arg6[%dma_start3A, %dma_start3A_3, %dma_start3A_4] : memref<1x64x1024xf32, #tpu.memory_space<vmem>> -> memref<1x64x1024xf32, #tpu.memory_space<vmem>>
    %dma_start3A_6 = tpu.memref_squeeze %dma_start3A_5 : memref<1x64x1024xf32, #tpu.memory_space<vmem>> -> memref<64x1024xf32, #tpu.memory_space<vmem>>
    %dma_start3A_7 = arith.constant 0 : i32
    %dma_start3A_8 = tpu.memref_slice %arg5[%dma_start3A_7] : memref<64xi32, #tpu.memory_space<vmem>> -> memref<64xi32, #tpu.memory_space<vmem>>
    %dma_start3A_9 = arith.constant 0 : i32
    %dma_start3A_10 = arith.constant 0 : i32
    %dma_start3A_11 = tpu.memref_slice %arg2[%dma_start3A_9, %dma_start3A_10] : memref<6144x1024xf32, #tpu.memory_space<hbm>> -> memref<6144x1024xf32, #tpu.memory_space<hbm>>
    tpu.enqueue_indirect_dma source(%dma_start3A_11 : memref<6144x1024xf32, #tpu.memory_space<hbm>>) target(%dma_start3A_6 : memref<64x1024xf32, #tpu.memory_space<vmem>>) offsets(%dma_start3A_8 : memref<64xi32, #tpu.memory_space<vmem>>) semaphore(%arg7 : memref<!tpu.dma_semaphore, #tpu.memory_space<semaphore_mem>>)
    %dma_wait3A = arith.constant 0 : i32
    %dma_wait3A_12 = arith.constant 0 : i32
    %dma_wait3A_13 = arith.constant 0 : i32
    %dma_wait3A_14 = tpu.memref_slice %arg6[%dma_wait3A, %dma_wait3A_12, %dma_wait3A_13] : memref<1x64x1024xf32, #tpu.memory_space<vmem>> -> memref<1x64x1024xf32, #tpu.memory_space<vmem>>
    %dma_wait3A_15 = tpu.memref_squeeze %dma_wait3A_14 : memref<1x64x1024xf32, #tpu.memory_space<vmem>> -> memref<64x1024xf32, #tpu.memory_space<vmem>>
    %dma_wait3A_16 = arith.constant 0 : i32
    %dma_wait3A_17 = tpu.memref_slice %arg5[%dma_wait3A_16] : memref<64xi32, #tpu.memory_space<vmem>> -> memref<64xi32, #tpu.memory_space<vmem>>
    %dma_wait3A_18 = arith.constant 0 : i32
    %dma_wait3A_19 = arith.constant 0 : i32
    %dma_wait3A_20 = tpu.memref_slice %arg2[%dma_wait3A_18, %dma_wait3A_19] : memref<6144x1024xf32, #tpu.memory_space<hbm>> -> memref<6144x1024xf32, #tpu.memory_space<hbm>>
    tpu.wait_indirect_dma semaphore(%arg7 : memref<!tpu.dma_semaphore, #tpu.memory_space<semaphore_mem>>) src(%dma_wait3A_20 : memref<6144x1024xf32, #tpu.memory_space<hbm>>) dst(%dma_wait3A_15 : memref<64x1024xf32, #tpu.memory_space<vmem>>)
    %add3A_21 = arith.constant 0 : i32
    %add3A_22 = arith.addi %mul3A_2, %add3A_21 : i32
    %dma_start3A_23 = arith.constant 0 : i32
    %dma_start3A_24 = arith.constant 0 : i32
    %dma_start3A_25 = arith.constant 0 : i32
    %dma_start3A_26 = tpu.memref_slice %arg6[%dma_start3A_23, %dma_start3A_24, %dma_start3A_25] : memref<1x64x1024xf32, #tpu.memory_space<vmem>> -> memref<1x64x1024xf32, #tpu.memory_space<vmem>>
    %dma_start3A_27 = tpu.memref_squeeze %dma_start3A_26 : memref<1x64x1024xf32, #tpu.memory_space<vmem>> -> memref<64x1024xf32, #tpu.memory_space<vmem>>
    %dma_start3A_28 = arith.constant 0 : i32
    %dma_start3A_29 = tpu.memref_slice %arg4[%add3A_22, %dma_start3A_28] : memref<2048x1024xf32, #tpu.memory_space<hbm>> -> memref<64x1024xf32, #tpu.memory_space<hbm>>
    %dma_start3A_30 = arith.constant 0 : i32
    %dma_start3A_31 = tpu.memref_slice %arg4[%add3A_22, %dma_start3A_30] : memref<2048x1024xf32, #tpu.memory_space<hbm>> -> memref<64x1024xf32, #tpu.memory_space<hbm>>
    %dma_start3A_32 = arith.constant 0 : i32
    %dma_start3A_33 = arith.constant 0 : i32
    %dma_start3A_34 = tpu.memref_slice %arg6[%dma_start3A_23, %dma_start3A_32, %dma_start3A_33] : memref<1x64x1024xf32, #tpu.memory_space<vmem>> -> memref<1x64x1024xf32, #tpu.memory_space<vmem>>
    %dma_start3A_35 = tpu.memref_squeeze %dma_start3A_34 : memref<1x64x1024xf32, #tpu.memory_space<vmem>> -> memref<64x1024xf32, #tpu.memory_space<vmem>>
    tpu.enqueue_dma source(%dma_start3A_35 : memref<64x1024xf32, #tpu.memory_space<vmem>>) target(%dma_start3A_31 : memref<64x1024xf32, #tpu.memory_space<hbm>>) target_semaphore(%arg9 : memref<!tpu.dma_semaphore, #tpu.memory_space<semaphore_mem>>)
    %dma_wait3A_36 = arith.constant 0 : i32
    %dma_wait3A_37 = arith.constant 0 : i32
    %dma_wait3A_38 = arith.constant 0 : i32
    %dma_wait3A_39 = tpu.memref_slice %arg6[%dma_wait3A_36, %dma_wait3A_37, %dma_wait3A_38] : memref<1x64x1024xf32, #tpu.memory_space<vmem>> -> memref<1x64x1024xf32, #tpu.memory_space<vmem>>
    %dma_wait3A_40 = tpu.memref_squeeze %dma_wait3A_39 : memref<1x64x1024xf32, #tpu.memory_space<vmem>> -> memref<64x1024xf32, #tpu.memory_space<vmem>>
    %dma_wait3A_41 = arith.constant 0 : i32
    %dma_wait3A_42 = tpu.memref_slice %arg4[%add3A_22, %dma_wait3A_41] : memref<2048x1024xf32, #tpu.memory_space<hbm>> -> memref<64x1024xf32, #tpu.memory_space<hbm>>
    %dma_wait3A_43 = arith.constant 0 : i32
    %dma_wait3A_44 = tpu.memref_slice %arg4[%add3A_22, %dma_wait3A_43] : memref<2048x1024xf32, #tpu.memory_space<hbm>> -> memref<64x1024xf32, #tpu.memory_space<hbm>>
    %dma_wait3A_45 = arith.constant 0 : i32
    %dma_wait3A_46 = arith.constant 0 : i32
    %dma_wait3A_47 = tpu.memref_slice %arg6[%dma_wait3A_36, %dma_wait3A_45, %dma_wait3A_46] : memref<1x64x1024xf32, #tpu.memory_space<vmem>> -> memref<1x64x1024xf32, #tpu.memory_space<vmem>>
    %dma_wait3A_48 = tpu.memref_squeeze %dma_wait3A_47 : memref<1x64x1024xf32, #tpu.memory_space<vmem>> -> memref<64x1024xf32, #tpu.memory_space<vmem>>
    tpu.wait_dma2 semaphore(%arg9 : memref<!tpu.dma_semaphore, #tpu.memory_space<semaphore_mem>>) src(%dma_wait3A_48 : memref<64x1024xf32, #tpu.memory_space<vmem>>) dst(%dma_wait3A_44 : memref<64x1024xf32, #tpu.memory_space<hbm>>)
    return
  }
}

#map = affine_map<(d0, d1) -> (0, 0)>
#map1 = affine_map<(d0, d1) -> (0)>
module attributes {stable_mosaic.version = 14 : i64} {
  func.func @k(%arg0: i32, %arg1: i32, %arg2: memref<2048x1024xf32, #tpu.memory_space<hbm>>, %arg3: memref<6144xi32, #tpu.memory_space<hbm>>, %arg4: memref<6144x1024xf32, #tpu.memory_space<hbm>>, %arg5: memref<192xi32, #tpu.memory_space<vmem>>, %arg6: memref<2x48x1024xf32, #tpu.memory_space<vmem>>, %arg7: memref<!tpu.dma_semaphore, #tpu.memory_space<semaphore_mem>>, %arg8: memref<!tpu.dma_semaphore, #tpu.memory_space<semaphore_mem>>, %arg9: memref<!tpu.dma_semaphore, #tpu.memory_space<semaphore_mem>>, %arg10: memref<!tpu.dma_semaphore, #tpu.memory_space<semaphore_mem>>) attributes {dimension_semantics = [#tpu.dimension_semantics<core_parallel>, #tpu.dimension_semantics<subcore_parallel>], iteration_bounds = array<i64: 2, 16>, scalar_prefetch = 0 : i64, scratch_operands = 6 : i64, tpu.core_type = #tpu.core_type<sc_vector_subcore>, window_params = [{transform_indices = #map}, {transform_indices = #map1}, {transform_indices = #map}]} {
    %mul3A = arith.constant 2 : i32
    %mul3A_0 = arith.muli %arg1, %mul3A : i32
    %add3A = arith.addi %mul3A_0, %arg0 : i32
    %mul3A_1 = arith.constant 192 : i32
    %mul3A_2 = arith.muli %add3A, %mul3A_1 : i32
    "tpu.region"() ({
      %run_scoped3A = tpu.sem_alloc : memref<!tpu.dma_semaphore, #tpu.memory_space<semaphore_mem>>
      %dma_start3A_193 = tpu.memref_slice %arg3[%mul3A_2] : memref<6144xi32, #tpu.memory_space<hbm>> -> memref<192xi32, #tpu.memory_space<hbm>>
      %dma_start3A_194 = tpu.memref_slice %arg3[%mul3A_2] : memref<6144xi32, #tpu.memory_space<hbm>> -> memref<192xi32, #tpu.memory_space<hbm>>
      tpu.enqueue_dma source(%dma_start3A_194 : memref<192xi32, #tpu.memory_space<hbm>>) target(%arg5 : memref<192xi32, #tpu.memory_space<vmem>>) target_semaphore(%run_scoped3A : memref<!tpu.dma_semaphore, #tpu.memory_space<semaphore_mem>>)
      %dma_wait3A_195 = tpu.memref_slice %arg3[%mul3A_2] : memref<6144xi32, #tpu.memory_space<hbm>> -> memref<192xi32, #tpu.memory_space<hbm>>
      %dma_wait3A_196 = tpu.memref_slice %arg3[%mul3A_2] : memref<6144xi32, #tpu.memory_space<hbm>> -> memref<192xi32, #tpu.memory_space<hbm>>
      tpu.wait_dma2 semaphore(%run_scoped3A : memref<!tpu.dma_semaphore, #tpu.memory_space<semaphore_mem>>) src(%dma_wait3A_196 : memref<192xi32, #tpu.memory_space<hbm>>) dst(%arg5 : memref<192xi32, #tpu.memory_space<vmem>>)
      tpu.yield
    }) : () -> ()
    %dma_start3A = arith.constant 0 : i32
    %dma_start3A_3 = arith.constant 0 : i32
    %dma_start3A_4 = arith.constant 0 : i32
    %dma_start3A_5 = tpu.memref_slice %arg6[%dma_start3A, %dma_start3A_3, %dma_start3A_4] : memref<2x48x1024xf32, #tpu.memory_space<vmem>> -> memref<1x48x1024xf32, #tpu.memory_space<vmem>>
    %dma_start3A_6 = tpu.memref_squeeze %dma_start3A_5 : memref<1x48x1024xf32, #tpu.memory_space<vmem>> -> memref<48x1024xf32, #tpu.memory_space<vmem>>
    %dma_start3A_7 = arith.constant 0 : i32
    %dma_start3A_8 = tpu.memref_slice %arg5[%dma_start3A_7] : memref<192xi32, #tpu.memory_space<vmem>> -> memref<48xi32, #tpu.memory_space<vmem>>
    %dma_start3A_9 = arith.constant 0 : i32
    %dma_start3A_10 = arith.constant 0 : i32
    %dma_start3A_11 = tpu.memref_slice %arg2[%dma_start3A_9, %dma_start3A_10] : memref<2048x1024xf32, #tpu.memory_space<hbm>> -> memref<2048x1024xf32, #tpu.memory_space<hbm>>
    tpu.enqueue_indirect_dma source(%dma_start3A_11 : memref<2048x1024xf32, #tpu.memory_space<hbm>>) target(%dma_start3A_6 : memref<48x1024xf32, #tpu.memory_space<vmem>>) offsets(%dma_start3A_8 : memref<48xi32, #tpu.memory_space<vmem>>) semaphore(%arg7 : memref<!tpu.dma_semaphore, #tpu.memory_space<semaphore_mem>>)
    %dma_start3A_12 = arith.constant 1 : i32
    %dma_start3A_13 = arith.constant 0 : i32
    %dma_start3A_14 = arith.constant 0 : i32
    %dma_start3A_15 = tpu.memref_slice %arg6[%dma_start3A_12, %dma_start3A_13, %dma_start3A_14] : memref<2x48x1024xf32, #tpu.memory_space<vmem>> -> memref<1x48x1024xf32, #tpu.memory_space<vmem>>
    %dma_start3A_16 = tpu.memref_squeeze %dma_start3A_15 : memref<1x48x1024xf32, #tpu.memory_space<vmem>> -> memref<48x1024xf32, #tpu.memory_space<vmem>>
    %dma_start3A_17 = arith.constant 48 : i32
    %dma_start3A_18 = tpu.memref_slice %arg5[%dma_start3A_17] : memref<192xi32, #tpu.memory_space<vmem>> -> memref<48xi32, #tpu.memory_space<vmem>>
    %dma_start3A_19 = arith.constant 0 : i32
    %dma_start3A_20 = arith.constant 0 : i32
    %dma_start3A_21 = tpu.memref_slice %arg2[%dma_start3A_19, %dma_start3A_20] : memref<2048x1024xf32, #tpu.memory_space<hbm>> -> memref<2048x1024xf32, #tpu.memory_space<hbm>>
    tpu.enqueue_indirect_dma source(%dma_start3A_21 : memref<2048x1024xf32, #tpu.memory_space<hbm>>) target(%dma_start3A_16 : memref<48x1024xf32, #tpu.memory_space<vmem>>) offsets(%dma_start3A_18 : memref<48xi32, #tpu.memory_space<vmem>>) semaphore(%arg8 : memref<!tpu.dma_semaphore, #tpu.memory_space<semaphore_mem>>)
    %dma_wait3A = arith.constant 0 : i32
    %dma_wait3A_22 = arith.constant 0 : i32
    %dma_wait3A_23 = arith.constant 0 : i32
    %dma_wait3A_24 = tpu.memref_slice %arg6[%dma_wait3A, %dma_wait3A_22, %dma_wait3A_23] : memref<2x48x1024xf32, #tpu.memory_space<vmem>> -> memref<1x48x1024xf32, #tpu.memory_space<vmem>>
    %dma_wait3A_25 = tpu.memref_squeeze %dma_wait3A_24 : memref<1x48x1024xf32, #tpu.memory_space<vmem>> -> memref<48x1024xf32, #tpu.memory_space<vmem>>
    %dma_wait3A_26 = arith.constant 0 : i32
    %dma_wait3A_27 = tpu.memref_slice %arg5[%dma_wait3A_26] : memref<192xi32, #tpu.memory_space<vmem>> -> memref<48xi32, #tpu.memory_space<vmem>>
    %dma_wait3A_28 = arith.constant 0 : i32
    %dma_wait3A_29 = arith.constant 0 : i32
    %dma_wait3A_30 = tpu.memref_slice %arg2[%dma_wait3A_28, %dma_wait3A_29] : memref<2048x1024xf32, #tpu.memory_space<hbm>> -> memref<2048x1024xf32, #tpu.memory_space<hbm>>
    tpu.wait_indirect_dma semaphore(%arg7 : memref<!tpu.dma_semaphore, #tpu.memory_space<semaphore_mem>>) src(%dma_wait3A_30 : memref<2048x1024xf32, #tpu.memory_space<hbm>>) dst(%dma_wait3A_25 : memref<48x1024xf32, #tpu.memory_space<vmem>>)
    %add3A_31 = arith.constant 0 : i32
    %add3A_32 = arith.addi %mul3A_2, %add3A_31 : i32
    %dma_start3A_33 = arith.constant 0 : i32
    %dma_start3A_34 = arith.constant 0 : i32
    %dma_start3A_35 = arith.constant 0 : i32
    %dma_start3A_36 = tpu.memref_slice %arg6[%dma_start3A_33, %dma_start3A_34, %dma_start3A_35] : memref<2x48x1024xf32, #tpu.memory_space<vmem>> -> memref<1x48x1024xf32, #tpu.memory_space<vmem>>
    %dma_start3A_37 = tpu.memref_squeeze %dma_start3A_36 : memref<1x48x1024xf32, #tpu.memory_space<vmem>> -> memref<48x1024xf32, #tpu.memory_space<vmem>>
    %dma_start3A_38 = arith.constant 0 : i32
    %dma_start3A_39 = tpu.memref_slice %arg4[%add3A_32, %dma_start3A_38] : memref<6144x1024xf32, #tpu.memory_space<hbm>> -> memref<48x1024xf32, #tpu.memory_space<hbm>>
    %dma_start3A_40 = arith.constant 0 : i32
    %dma_start3A_41 = tpu.memref_slice %arg4[%add3A_32, %dma_start3A_40] : memref<6144x1024xf32, #tpu.memory_space<hbm>> -> memref<48x1024xf32, #tpu.memory_space<hbm>>
    %dma_start3A_42 = arith.constant 0 : i32
    %dma_start3A_43 = arith.constant 0 : i32
    %dma_start3A_44 = tpu.memref_slice %arg6[%dma_start3A_33, %dma_start3A_42, %dma_start3A_43] : memref<2x48x1024xf32, #tpu.memory_space<vmem>> -> memref<1x48x1024xf32, #tpu.memory_space<vmem>>
    %dma_start3A_45 = tpu.memref_squeeze %dma_start3A_44 : memref<1x48x1024xf32, #tpu.memory_space<vmem>> -> memref<48x1024xf32, #tpu.memory_space<vmem>>
    tpu.enqueue_dma source(%dma_start3A_45 : memref<48x1024xf32, #tpu.memory_space<vmem>>) target(%dma_start3A_41 : memref<48x1024xf32, #tpu.memory_space<hbm>>) target_semaphore(%arg9 : memref<!tpu.dma_semaphore, #tpu.memory_space<semaphore_mem>>)
    %dma_wait3A_46 = arith.constant 0 : i32
    %dma_wait3A_47 = arith.constant 0 : i32
    %dma_wait3A_48 = arith.constant 0 : i32
    %dma_wait3A_49 = tpu.memref_slice %arg6[%dma_wait3A_46, %dma_wait3A_47, %dma_wait3A_48] : memref<2x48x1024xf32, #tpu.memory_space<vmem>> -> memref<1x48x1024xf32, #tpu.memory_space<vmem>>
    %dma_wait3A_50 = tpu.memref_squeeze %dma_wait3A_49 : memref<1x48x1024xf32, #tpu.memory_space<vmem>> -> memref<48x1024xf32, #tpu.memory_space<vmem>>
    %dma_wait3A_51 = arith.constant 0 : i32
    %dma_wait3A_52 = tpu.memref_slice %arg4[%add3A_32, %dma_wait3A_51] : memref<6144x1024xf32, #tpu.memory_space<hbm>> -> memref<48x1024xf32, #tpu.memory_space<hbm>>
    %dma_wait3A_53 = arith.constant 0 : i32
    %dma_wait3A_54 = tpu.memref_slice %arg4[%add3A_32, %dma_wait3A_53] : memref<6144x1024xf32, #tpu.memory_space<hbm>> -> memref<48x1024xf32, #tpu.memory_space<hbm>>
    %dma_wait3A_55 = arith.constant 0 : i32
    %dma_wait3A_56 = arith.constant 0 : i32
    %dma_wait3A_57 = tpu.memref_slice %arg6[%dma_wait3A_46, %dma_wait3A_55, %dma_wait3A_56] : memref<2x48x1024xf32, #tpu.memory_space<vmem>> -> memref<1x48x1024xf32, #tpu.memory_space<vmem>>
    %dma_wait3A_58 = tpu.memref_squeeze %dma_wait3A_57 : memref<1x48x1024xf32, #tpu.memory_space<vmem>> -> memref<48x1024xf32, #tpu.memory_space<vmem>>
    tpu.wait_dma2 semaphore(%arg9 : memref<!tpu.dma_semaphore, #tpu.memory_space<semaphore_mem>>) src(%dma_wait3A_58 : memref<48x1024xf32, #tpu.memory_space<vmem>>) dst(%dma_wait3A_54 : memref<48x1024xf32, #tpu.memory_space<hbm>>)
    %dma_start3A_59 = arith.constant 0 : i32
    %dma_start3A_60 = arith.constant 0 : i32
    %dma_start3A_61 = arith.constant 0 : i32
    %dma_start3A_62 = tpu.memref_slice %arg6[%dma_start3A_59, %dma_start3A_60, %dma_start3A_61] : memref<2x48x1024xf32, #tpu.memory_space<vmem>> -> memref<1x48x1024xf32, #tpu.memory_space<vmem>>
    %dma_start3A_63 = tpu.memref_squeeze %dma_start3A_62 : memref<1x48x1024xf32, #tpu.memory_space<vmem>> -> memref<48x1024xf32, #tpu.memory_space<vmem>>
    %dma_start3A_64 = arith.constant 96 : i32
    %dma_start3A_65 = tpu.memref_slice %arg5[%dma_start3A_64] : memref<192xi32, #tpu.memory_space<vmem>> -> memref<48xi32, #tpu.memory_space<vmem>>
    %dma_start3A_66 = arith.constant 0 : i32
    %dma_start3A_67 = arith.constant 0 : i32
    %dma_start3A_68 = tpu.memref_slice %arg2[%dma_start3A_66, %dma_start3A_67] : memref<2048x1024xf32, #tpu.memory_space<hbm>> -> memref<2048x1024xf32, #tpu.memory_space<hbm>>
    tpu.enqueue_indirect_dma source(%dma_start3A_68 : memref<2048x1024xf32, #tpu.memory_space<hbm>>) target(%dma_start3A_63 : memref<48x1024xf32, #tpu.memory_space<vmem>>) offsets(%dma_start3A_65 : memref<48xi32, #tpu.memory_space<vmem>>) semaphore(%arg7 : memref<!tpu.dma_semaphore, #tpu.memory_space<semaphore_mem>>)
    %dma_wait3A_69 = arith.constant 1 : i32
    %dma_wait3A_70 = arith.constant 0 : i32
    %dma_wait3A_71 = arith.constant 0 : i32
    %dma_wait3A_72 = tpu.memref_slice %arg6[%dma_wait3A_69, %dma_wait3A_70, %dma_wait3A_71] : memref<2x48x1024xf32, #tpu.memory_space<vmem>> -> memref<1x48x1024xf32, #tpu.memory_space<vmem>>
    %dma_wait3A_73 = tpu.memref_squeeze %dma_wait3A_72 : memref<1x48x1024xf32, #tpu.memory_space<vmem>> -> memref<48x1024xf32, #tpu.memory_space<vmem>>
    %dma_wait3A_74 = arith.constant 48 : i32
    %dma_wait3A_75 = tpu.memref_slice %arg5[%dma_wait3A_74] : memref<192xi32, #tpu.memory_space<vmem>> -> memref<48xi32, #tpu.memory_space<vmem>>
    %dma_wait3A_76 = arith.constant 0 : i32
    %dma_wait3A_77 = arith.constant 0 : i32
    %dma_wait3A_78 = tpu.memref_slice %arg2[%dma_wait3A_76, %dma_wait3A_77] : memref<2048x1024xf32, #tpu.memory_space<hbm>> -> memref<2048x1024xf32, #tpu.memory_space<hbm>>
    tpu.wait_indirect_dma semaphore(%arg8 : memref<!tpu.dma_semaphore, #tpu.memory_space<semaphore_mem>>) src(%dma_wait3A_78 : memref<2048x1024xf32, #tpu.memory_space<hbm>>) dst(%dma_wait3A_73 : memref<48x1024xf32, #tpu.memory_space<vmem>>)
    %add3A_79 = arith.constant 48 : i32
    %add3A_80 = arith.addi %mul3A_2, %add3A_79 : i32
    %dma_start3A_81 = arith.constant 1 : i32
    %dma_start3A_82 = arith.constant 0 : i32
    %dma_start3A_83 = arith.constant 0 : i32
    %dma_start3A_84 = tpu.memref_slice %arg6[%dma_start3A_81, %dma_start3A_82, %dma_start3A_83] : memref<2x48x1024xf32, #tpu.memory_space<vmem>> -> memref<1x48x1024xf32, #tpu.memory_space<vmem>>
    %dma_start3A_85 = tpu.memref_squeeze %dma_start3A_84 : memref<1x48x1024xf32, #tpu.memory_space<vmem>> -> memref<48x1024xf32, #tpu.memory_space<vmem>>
    %dma_start3A_86 = arith.constant 0 : i32
    %dma_start3A_87 = tpu.memref_slice %arg4[%add3A_80, %dma_start3A_86] : memref<6144x1024xf32, #tpu.memory_space<hbm>> -> memref<48x1024xf32, #tpu.memory_space<hbm>>
    %dma_start3A_88 = arith.constant 0 : i32
    %dma_start3A_89 = tpu.memref_slice %arg4[%add3A_80, %dma_start3A_88] : memref<6144x1024xf32, #tpu.memory_space<hbm>> -> memref<48x1024xf32, #tpu.memory_space<hbm>>
    %dma_start3A_90 = arith.constant 0 : i32
    %dma_start3A_91 = arith.constant 0 : i32
    %dma_start3A_92 = tpu.memref_slice %arg6[%dma_start3A_81, %dma_start3A_90, %dma_start3A_91] : memref<2x48x1024xf32, #tpu.memory_space<vmem>> -> memref<1x48x1024xf32, #tpu.memory_space<vmem>>
    %dma_start3A_93 = tpu.memref_squeeze %dma_start3A_92 : memref<1x48x1024xf32, #tpu.memory_space<vmem>> -> memref<48x1024xf32, #tpu.memory_space<vmem>>
    tpu.enqueue_dma source(%dma_start3A_93 : memref<48x1024xf32, #tpu.memory_space<vmem>>) target(%dma_start3A_89 : memref<48x1024xf32, #tpu.memory_space<hbm>>) target_semaphore(%arg10 : memref<!tpu.dma_semaphore, #tpu.memory_space<semaphore_mem>>)
    %dma_wait3A_94 = arith.constant 1 : i32
    %dma_wait3A_95 = arith.constant 0 : i32
    %dma_wait3A_96 = arith.constant 0 : i32
    %dma_wait3A_97 = tpu.memref_slice %arg6[%dma_wait3A_94, %dma_wait3A_95, %dma_wait3A_96] : memref<2x48x1024xf32, #tpu.memory_space<vmem>> -> memref<1x48x1024xf32, #tpu.memory_space<vmem>>
    %dma_wait3A_98 = tpu.memref_squeeze %dma_wait3A_97 : memref<1x48x1024xf32, #tpu.memory_space<vmem>> -> memref<48x1024xf32, #tpu.memory_space<vmem>>
    %dma_wait3A_99 = arith.constant 0 : i32
    %dma_wait3A_100 = tpu.memref_slice %arg4[%add3A_80, %dma_wait3A_99] : memref<6144x1024xf32, #tpu.memory_space<hbm>> -> memref<48x1024xf32, #tpu.memory_space<hbm>>
    %dma_wait3A_101 = arith.constant 0 : i32
    %dma_wait3A_102 = tpu.memref_slice %arg4[%add3A_80, %dma_wait3A_101] : memref<6144x1024xf32, #tpu.memory_space<hbm>> -> memref<48x1024xf32, #tpu.memory_space<hbm>>
    %dma_wait3A_103 = arith.constant 0 : i32
    %dma_wait3A_104 = arith.constant 0 : i32
    %dma_wait3A_105 = tpu.memref_slice %arg6[%dma_wait3A_94, %dma_wait3A_103, %dma_wait3A_104] : memref<2x48x1024xf32, #tpu.memory_space<vmem>> -> memref<1x48x1024xf32, #tpu.memory_space<vmem>>
    %dma_wait3A_106 = tpu.memref_squeeze %dma_wait3A_105 : memref<1x48x1024xf32, #tpu.memory_space<vmem>> -> memref<48x1024xf32, #tpu.memory_space<vmem>>
    tpu.wait_dma2 semaphore(%arg10 : memref<!tpu.dma_semaphore, #tpu.memory_space<semaphore_mem>>) src(%dma_wait3A_106 : memref<48x1024xf32, #tpu.memory_space<vmem>>) dst(%dma_wait3A_102 : memref<48x1024xf32, #tpu.memory_space<hbm>>)
    %dma_start3A_107 = arith.constant 1 : i32
    %dma_start3A_108 = arith.constant 0 : i32
    %dma_start3A_109 = arith.constant 0 : i32
    %dma_start3A_110 = tpu.memref_slice %arg6[%dma_start3A_107, %dma_start3A_108, %dma_start3A_109] : memref<2x48x1024xf32, #tpu.memory_space<vmem>> -> memref<1x48x1024xf32, #tpu.memory_space<vmem>>
    %dma_start3A_111 = tpu.memref_squeeze %dma_start3A_110 : memref<1x48x1024xf32, #tpu.memory_space<vmem>> -> memref<48x1024xf32, #tpu.memory_space<vmem>>
    %dma_start3A_112 = arith.constant 144 : i32
    %dma_start3A_113 = tpu.memref_slice %arg5[%dma_start3A_112] : memref<192xi32, #tpu.memory_space<vmem>> -> memref<48xi32, #tpu.memory_space<vmem>>
    %dma_start3A_114 = arith.constant 0 : i32
    %dma_start3A_115 = arith.constant 0 : i32
    %dma_start3A_116 = tpu.memref_slice %arg2[%dma_start3A_114, %dma_start3A_115] : memref<2048x1024xf32, #tpu.memory_space<hbm>> -> memref<2048x1024xf32, #tpu.memory_space<hbm>>
    tpu.enqueue_indirect_dma source(%dma_start3A_116 : memref<2048x1024xf32, #tpu.memory_space<hbm>>) target(%dma_start3A_111 : memref<48x1024xf32, #tpu.memory_space<vmem>>) offsets(%dma_start3A_113 : memref<48xi32, #tpu.memory_space<vmem>>) semaphore(%arg8 : memref<!tpu.dma_semaphore, #tpu.memory_space<semaphore_mem>>)
    %dma_wait3A_117 = arith.constant 0 : i32
    %dma_wait3A_118 = arith.constant 0 : i32
    %dma_wait3A_119 = arith.constant 0 : i32
    %dma_wait3A_120 = tpu.memref_slice %arg6[%dma_wait3A_117, %dma_wait3A_118, %dma_wait3A_119] : memref<2x48x1024xf32, #tpu.memory_space<vmem>> -> memref<1x48x1024xf32, #tpu.memory_space<vmem>>
    %dma_wait3A_121 = tpu.memref_squeeze %dma_wait3A_120 : memref<1x48x1024xf32, #tpu.memory_space<vmem>> -> memref<48x1024xf32, #tpu.memory_space<vmem>>
    %dma_wait3A_122 = arith.constant 96 : i32
    %dma_wait3A_123 = tpu.memref_slice %arg5[%dma_wait3A_122] : memref<192xi32, #tpu.memory_space<vmem>> -> memref<48xi32, #tpu.memory_space<vmem>>
    %dma_wait3A_124 = arith.constant 0 : i32
    %dma_wait3A_125 = arith.constant 0 : i32
    %dma_wait3A_126 = tpu.memref_slice %arg2[%dma_wait3A_124, %dma_wait3A_125] : memref<2048x1024xf32, #tpu.memory_space<hbm>> -> memref<2048x1024xf32, #tpu.memory_space<hbm>>
    tpu.wait_indirect_dma semaphore(%arg7 : memref<!tpu.dma_semaphore, #tpu.memory_space<semaphore_mem>>) src(%dma_wait3A_126 : memref<2048x1024xf32, #tpu.memory_space<hbm>>) dst(%dma_wait3A_121 : memref<48x1024xf32, #tpu.memory_space<vmem>>)
    %add3A_127 = arith.constant 96 : i32
    %add3A_128 = arith.addi %mul3A_2, %add3A_127 : i32
    %dma_start3A_129 = arith.constant 0 : i32
    %dma_start3A_130 = arith.constant 0 : i32
    %dma_start3A_131 = arith.constant 0 : i32
    %dma_start3A_132 = tpu.memref_slice %arg6[%dma_start3A_129, %dma_start3A_130, %dma_start3A_131] : memref<2x48x1024xf32, #tpu.memory_space<vmem>> -> memref<1x48x1024xf32, #tpu.memory_space<vmem>>
    %dma_start3A_133 = tpu.memref_squeeze %dma_start3A_132 : memref<1x48x1024xf32, #tpu.memory_space<vmem>> -> memref<48x1024xf32, #tpu.memory_space<vmem>>
    %dma_start3A_134 = arith.constant 0 : i32
    %dma_start3A_135 = tpu.memref_slice %arg4[%add3A_128, %dma_start3A_134] : memref<6144x1024xf32, #tpu.memory_space<hbm>> -> memref<48x1024xf32, #tpu.memory_space<hbm>>
    %dma_start3A_136 = arith.constant 0 : i32
    %dma_start3A_137 = tpu.memref_slice %arg4[%add3A_128, %dma_start3A_136] : memref<6144x1024xf32, #tpu.memory_space<hbm>> -> memref<48x1024xf32, #tpu.memory_space<hbm>>
    %dma_start3A_138 = arith.constant 0 : i32
    %dma_start3A_139 = arith.constant 0 : i32
    %dma_start3A_140 = tpu.memref_slice %arg6[%dma_start3A_129, %dma_start3A_138, %dma_start3A_139] : memref<2x48x1024xf32, #tpu.memory_space<vmem>> -> memref<1x48x1024xf32, #tpu.memory_space<vmem>>
    %dma_start3A_141 = tpu.memref_squeeze %dma_start3A_140 : memref<1x48x1024xf32, #tpu.memory_space<vmem>> -> memref<48x1024xf32, #tpu.memory_space<vmem>>
    tpu.enqueue_dma source(%dma_start3A_141 : memref<48x1024xf32, #tpu.memory_space<vmem>>) target(%dma_start3A_137 : memref<48x1024xf32, #tpu.memory_space<hbm>>) target_semaphore(%arg9 : memref<!tpu.dma_semaphore, #tpu.memory_space<semaphore_mem>>)
    %dma_wait3A_142 = arith.constant 1 : i32
    %dma_wait3A_143 = arith.constant 0 : i32
    %dma_wait3A_144 = arith.constant 0 : i32
    %dma_wait3A_145 = tpu.memref_slice %arg6[%dma_wait3A_142, %dma_wait3A_143, %dma_wait3A_144] : memref<2x48x1024xf32, #tpu.memory_space<vmem>> -> memref<1x48x1024xf32, #tpu.memory_space<vmem>>
    %dma_wait3A_146 = tpu.memref_squeeze %dma_wait3A_145 : memref<1x48x1024xf32, #tpu.memory_space<vmem>> -> memref<48x1024xf32, #tpu.memory_space<vmem>>
    %dma_wait3A_147 = arith.constant 144 : i32
    %dma_wait3A_148 = tpu.memref_slice %arg5[%dma_wait3A_147] : memref<192xi32, #tpu.memory_space<vmem>> -> memref<48xi32, #tpu.memory_space<vmem>>
    %dma_wait3A_149 = arith.constant 0 : i32
    %dma_wait3A_150 = arith.constant 0 : i32
    %dma_wait3A_151 = tpu.memref_slice %arg2[%dma_wait3A_149, %dma_wait3A_150] : memref<2048x1024xf32, #tpu.memory_space<hbm>> -> memref<2048x1024xf32, #tpu.memory_space<hbm>>
    tpu.wait_indirect_dma semaphore(%arg8 : memref<!tpu.dma_semaphore, #tpu.memory_space<semaphore_mem>>) src(%dma_wait3A_151 : memref<2048x1024xf32, #tpu.memory_space<hbm>>) dst(%dma_wait3A_146 : memref<48x1024xf32, #tpu.memory_space<vmem>>)
    %add3A_152 = arith.constant 144 : i32
    %add3A_153 = arith.addi %mul3A_2, %add3A_152 : i32
    %dma_start3A_154 = arith.constant 1 : i32
    %dma_start3A_155 = arith.constant 0 : i32
    %dma_start3A_156 = arith.constant 0 : i32
    %dma_start3A_157 = tpu.memref_slice %arg6[%dma_start3A_154, %dma_start3A_155, %dma_start3A_156] : memref<2x48x1024xf32, #tpu.memory_space<vmem>> -> memref<1x48x1024xf32, #tpu.memory_space<vmem>>
    %dma_start3A_158 = tpu.memref_squeeze %dma_start3A_157 : memref<1x48x1024xf32, #tpu.memory_space<vmem>> -> memref<48x1024xf32, #tpu.memory_space<vmem>>
    %dma_start3A_159 = arith.constant 0 : i32
    %dma_start3A_160 = tpu.memref_slice %arg4[%add3A_153, %dma_start3A_159] : memref<6144x1024xf32, #tpu.memory_space<hbm>> -> memref<48x1024xf32, #tpu.memory_space<hbm>>
    %dma_start3A_161 = arith.constant 0 : i32
    %dma_start3A_162 = tpu.memref_slice %arg4[%add3A_153, %dma_start3A_161] : memref<6144x1024xf32, #tpu.memory_space<hbm>> -> memref<48x1024xf32, #tpu.memory_space<hbm>>
    %dma_start3A_163 = arith.constant 0 : i32
    %dma_start3A_164 = arith.constant 0 : i32
    %dma_start3A_165 = tpu.memref_slice %arg6[%dma_start3A_154, %dma_start3A_163, %dma_start3A_164] : memref<2x48x1024xf32, #tpu.memory_space<vmem>> -> memref<1x48x1024xf32, #tpu.memory_space<vmem>>
    %dma_start3A_166 = tpu.memref_squeeze %dma_start3A_165 : memref<1x48x1024xf32, #tpu.memory_space<vmem>> -> memref<48x1024xf32, #tpu.memory_space<vmem>>
    tpu.enqueue_dma source(%dma_start3A_166 : memref<48x1024xf32, #tpu.memory_space<vmem>>) target(%dma_start3A_162 : memref<48x1024xf32, #tpu.memory_space<hbm>>) target_semaphore(%arg10 : memref<!tpu.dma_semaphore, #tpu.memory_space<semaphore_mem>>)
    %dma_wait3A_167 = arith.constant 0 : i32
    %dma_wait3A_168 = arith.constant 0 : i32
    %dma_wait3A_169 = arith.constant 0 : i32
    %dma_wait3A_170 = tpu.memref_slice %arg6[%dma_wait3A_167, %dma_wait3A_168, %dma_wait3A_169] : memref<2x48x1024xf32, #tpu.memory_space<vmem>> -> memref<1x48x1024xf32, #tpu.memory_space<vmem>>
    %dma_wait3A_171 = tpu.memref_squeeze %dma_wait3A_170 : memref<1x48x1024xf32, #tpu.memory_space<vmem>> -> memref<48x1024xf32, #tpu.memory_space<vmem>>
    %dma_wait3A_172 = arith.constant 0 : i32
    %dma_wait3A_173 = tpu.memref_slice %arg4[%add3A_128, %dma_wait3A_172] : memref<6144x1024xf32, #tpu.memory_space<hbm>> -> memref<48x1024xf32, #tpu.memory_space<hbm>>
    %dma_wait3A_174 = arith.constant 0 : i32
    %dma_wait3A_175 = tpu.memref_slice %arg4[%add3A_128, %dma_wait3A_174] : memref<6144x1024xf32, #tpu.memory_space<hbm>> -> memref<48x1024xf32, #tpu.memory_space<hbm>>
    %dma_wait3A_176 = arith.constant 0 : i32
    %dma_wait3A_177 = arith.constant 0 : i32
    %dma_wait3A_178 = tpu.memref_slice %arg6[%dma_wait3A_167, %dma_wait3A_176, %dma_wait3A_177] : memref<2x48x1024xf32, #tpu.memory_space<vmem>> -> memref<1x48x1024xf32, #tpu.memory_space<vmem>>
    %dma_wait3A_179 = tpu.memref_squeeze %dma_wait3A_178 : memref<1x48x1024xf32, #tpu.memory_space<vmem>> -> memref<48x1024xf32, #tpu.memory_space<vmem>>
    tpu.wait_dma2 semaphore(%arg9 : memref<!tpu.dma_semaphore, #tpu.memory_space<semaphore_mem>>) src(%dma_wait3A_179 : memref<48x1024xf32, #tpu.memory_space<vmem>>) dst(%dma_wait3A_175 : memref<48x1024xf32, #tpu.memory_space<hbm>>)
    %dma_wait3A_180 = arith.constant 1 : i32
    %dma_wait3A_181 = arith.constant 0 : i32
    %dma_wait3A_182 = arith.constant 0 : i32
    %dma_wait3A_183 = tpu.memref_slice %arg6[%dma_wait3A_180, %dma_wait3A_181, %dma_wait3A_182] : memref<2x48x1024xf32, #tpu.memory_space<vmem>> -> memref<1x48x1024xf32, #tpu.memory_space<vmem>>
    %dma_wait3A_184 = tpu.memref_squeeze %dma_wait3A_183 : memref<1x48x1024xf32, #tpu.memory_space<vmem>> -> memref<48x1024xf32, #tpu.memory_space<vmem>>
    %dma_wait3A_185 = arith.constant 0 : i32
    %dma_wait3A_186 = tpu.memref_slice %arg4[%add3A_153, %dma_wait3A_185] : memref<6144x1024xf32, #tpu.memory_space<hbm>> -> memref<48x1024xf32, #tpu.memory_space<hbm>>
    %dma_wait3A_187 = arith.constant 0 : i32
    %dma_wait3A_188 = tpu.memref_slice %arg4[%add3A_153, %dma_wait3A_187] : memref<6144x1024xf32, #tpu.memory_space<hbm>> -> memref<48x1024xf32, #tpu.memory_space<hbm>>
    %dma_wait3A_189 = arith.constant 0 : i32
    %dma_wait3A_190 = arith.constant 0 : i32
    %dma_wait3A_191 = tpu.memref_slice %arg6[%dma_wait3A_180, %dma_wait3A_189, %dma_wait3A_190] : memref<2x48x1024xf32, #tpu.memory_space<vmem>> -> memref<1x48x1024xf32, #tpu.memory_space<vmem>>
    %dma_wait3A_192 = tpu.memref_squeeze %dma_wait3A_191 : memref<1x48x1024xf32, #tpu.memory_space<vmem>> -> memref<48x1024xf32, #tpu.memory_space<vmem>>
    tpu.wait_dma2 semaphore(%arg10 : memref<!tpu.dma_semaphore, #tpu.memory_space<semaphore_mem>>) src(%dma_wait3A_192 : memref<48x1024xf32, #tpu.memory_space<vmem>>) dst(%dma_wait3A_188 : memref<48x1024xf32, #tpu.memory_space<hbm>>)
    return
  }
}

module attributes {stable_mosaic.version = 14 : i64} {
  func.func @_gate_body(%arg0: i32, %arg1: memref<256x1024xf32, #tpu.memory_space<vmem>>, %arg2: memref<128x1024xf32, #tpu.memory_space<vmem>>, %arg3: memref<8x128xf32, #tpu.memory_space<vmem>>, %arg4: memref<256x8xf32, #tpu.memory_space<vmem>>, %arg5: memref<256x8xi32, #tpu.memory_space<vmem>>, %arg6: memref<256x8xf32, #tpu.memory_space<vmem>>) attributes {dimension_semantics = [#tpu.dimension_semantics<arbitrary>], iteration_bounds = array<i64: 8>, scalar_prefetch = 0 : i64, scratch_operands = 0 : i64, tpu.core_type = #tpu.core_type<tc>, window_params = [{transform_indices = @transform_0, window_bounds = array<i64: 256, 1024>}, {pipeline_mode = #tpu.pipeline_mode<synchronous>, transform_indices = @transform_1, window_bounds = array<i64: 128, 1024>}, {pipeline_mode = #tpu.pipeline_mode<synchronous>, transform_indices = @transform_2, window_bounds = array<i64: 8, 128>}, {transform_indices = @transform_3, window_bounds = array<i64: 256, 8>}, {transform_indices = @transform_4, window_bounds = array<i64: 256, 8>}, {transform_indices = @transform_5, window_bounds = array<i64: 256, 8>}]} {
    %get3A = arith.constant 0 : index
    %get3A_0 = arith.constant 0 : index
    %get3A_1 = vector.load %arg1[%get3A, %get3A_0] : memref<256x1024xf32, #tpu.memory_space<vmem>>, vector<256x1024xf32>
    %get3A_2 = arith.constant 0 : index
    %get3A_3 = arith.constant 0 : index
    %get3A_4 = vector.load %arg2[%get3A_2, %get3A_3] : memref<128x1024xf32, #tpu.memory_space<vmem>>, vector<128x1024xf32>
    %dot_general3A = arith.constant dense<0.000000e+00> : vector<256x128xf32>
    %dot_general3A_5 = tpu.matmul %get3A_1, %get3A_4, %dot_general3A {dimension_numbers = #tpu.dot_dimension_numbers<[1], [1], [0], [0], [0, 0, 1, 0], [], []>, transpose_lhs_hint = false} : vector<256x1024xf32>, vector<128x1024xf32>, vector<256x128xf32> -> vector<256x128xf32>
    %iota3A = tpu.iota {dimensions = array<i32: 1>} : vector<256x128xi32>
    %lt3A = arith.constant 8 : i32
    %lt3A_6 = vector.broadcast %lt3A : i32 to vector<256x128xi32>
    %lt3A_7 = arith.cmpi slt, %iota3A, %lt3A_6 : vector<256x128xi32>
    %jit3A = arith.constant -1.000000e+30 : f32
    %broadcast_in_dim3A = vector.broadcast %jit3A : f32 to vector<256x128xf32>
    %select_n3A = arith.select %lt3A_7, %dot_general3A_5, %broadcast_in_dim3A : vector<256x128xi1>, vector<256x128xf32>
    %reduce_max3A = arith.constant dense<0xFF800000> : vector<256xf32>
    %reduce_max3A_8 = vector.multi_reduction <maximumf>, %select_n3A, %reduce_max3A [1] : vector<256x128xf32> to vector<256xf32>
    %broadcast_in_dim3A_9 = vector.shape_cast %reduce_max3A_8 : vector<256xf32> to vector<256x1xf32>
    %sub3A = vector.broadcast %broadcast_in_dim3A_9 : vector<256x1xf32> to vector<256x128xf32>
    %sub3A_10 = arith.subf %select_n3A, %sub3A : vector<256x128xf32>
    %exp3A = math.exp %sub3A_10 : vector<256x128xf32>
    %jit3A_11 = arith.constant 0.000000e+00 : f32
    %broadcast_in_dim3A_12 = vector.broadcast %jit3A_11 : f32 to vector<256x128xf32>
    %select_n3A_13 = arith.select %lt3A_7, %exp3A, %broadcast_in_dim3A_12 : vector<256x128xi1>, vector<256x128xf32>
    %reduce_sum3A = arith.constant dense<0.000000e+00> : vector<256xf32>
    %reduce_sum3A_14 = vector.multi_reduction <add>, %select_n3A_13, %reduce_sum3A [1] : vector<256x128xf32> to vector<256xf32>
    %broadcast_in_dim3A_15 = vector.shape_cast %reduce_sum3A_14 : vector<256xf32> to vector<256x1xf32>
    %div3A = vector.broadcast %broadcast_in_dim3A_15 : vector<256x1xf32> to vector<256x128xf32>
    %div3A_16 = arith.divf %select_n3A_13, %div3A : vector<256x128xf32>
    %get3A_17 = arith.constant 0 : index
    %get3A_18 = arith.constant 0 : index
    %get3A_19 = vector.load %arg3[%get3A_17, %get3A_18] : memref<8x128xf32, #tpu.memory_space<vmem>>, vector<8x128xf32>
    %slice3A = vector.extract_strided_slice %get3A_19 {offsets = [0, 0], sizes = [1, 128], strides = [1, 1]} : vector<8x128xf32> to vector<1x128xf32>
    %add3A = vector.broadcast %slice3A : vector<1x128xf32> to vector<256x128xf32>
    %add3A_20 = arith.addf %div3A_16, %add3A : vector<256x128xf32>
    %jit3A_21 = arith.constant -1.000000e+30 : f32
    %broadcast_in_dim3A_22 = vector.broadcast %jit3A_21 : f32 to vector<256x128xf32>
    %select_n3A_23 = arith.select %lt3A_7, %add3A_20, %broadcast_in_dim3A_22 : vector<256x128xi1>, vector<256x128xf32>
    %reduce_max3A_24 = arith.constant dense<0xFF800000> : vector<256xf32>
    %reduce_max3A_25 = vector.multi_reduction <maximumf>, %select_n3A_23, %reduce_max3A_24 [1] : vector<256x128xf32> to vector<256xf32>
    %broadcast_in_dim3A_26 = vector.shape_cast %reduce_max3A_25 : vector<256xf32> to vector<256x1xf32>
    %eq3A = vector.broadcast %broadcast_in_dim3A_26 : vector<256x1xf32> to vector<256x128xf32>
    %eq3A_27 = arith.cmpf oeq, %select_n3A_23, %eq3A : vector<256x128xf32>
    %jit3A_28 = arith.constant 128 : i32
    %broadcast_in_dim3A_29 = vector.broadcast %jit3A_28 : i32 to vector<256x128xi32>
    %select_n3A_30 = arith.select %eq3A_27, %iota3A, %broadcast_in_dim3A_29 : vector<256x128xi1>, vector<256x128xi32>
    %reduce_min3A = arith.constant dense<2147483647> : vector<256xi32>
    %reduce_min3A_31 = vector.multi_reduction <minsi>, %select_n3A_30, %reduce_min3A [1] : vector<256x128xi32> to vector<256xi32>
    %broadcast_in_dim3A_32 = vector.shape_cast %reduce_min3A_31 : vector<256xi32> to vector<256x1xi32>
    %eq3A_33 = vector.broadcast %broadcast_in_dim3A_32 : vector<256x1xi32> to vector<256x128xi32>
    %eq3A_34 = arith.cmpi eq, %iota3A, %eq3A_33 : vector<256x128xi32>
    %jit3A_35 = arith.constant -1.000000e+30 : f32
    %broadcast_in_dim3A_36 = vector.broadcast %jit3A_35 : f32 to vector<256x128xf32>
    %select_n3A_37 = arith.select %eq3A_34, %broadcast_in_dim3A_36, %select_n3A_23 : vector<256x128xi1>, vector<256x128xf32>
    %reduce_max3A_38 = arith.constant dense<0xFF800000> : vector<256xf32>
    %reduce_max3A_39 = vector.multi_reduction <maximumf>, %select_n3A_37, %reduce_max3A_38 [1] : vector<256x128xf32> to vector<256xf32>
    %broadcast_in_dim3A_40 = vector.shape_cast %reduce_max3A_39 : vector<256xf32> to vector<256x1xf32>
    %eq3A_41 = vector.broadcast %broadcast_in_dim3A_40 : vector<256x1xf32> to vector<256x128xf32>
    %eq3A_42 = arith.cmpf oeq, %select_n3A_37, %eq3A_41 : vector<256x128xf32>
    %jit3A_43 = arith.constant 128 : i32
    %broadcast_in_dim3A_44 = vector.broadcast %jit3A_43 : i32 to vector<256x128xi32>
    %select_n3A_45 = arith.select %eq3A_42, %iota3A, %broadcast_in_dim3A_44 : vector<256x128xi1>, vector<256x128xi32>
    %reduce_min3A_46 = arith.constant dense<2147483647> : vector<256xi32>
    %reduce_min3A_47 = vector.multi_reduction <minsi>, %select_n3A_45, %reduce_min3A_46 [1] : vector<256x128xi32> to vector<256xi32>
    %broadcast_in_dim3A_48 = vector.shape_cast %reduce_min3A_47 : vector<256xi32> to vector<256x1xi32>
    %eq3A_49 = vector.broadcast %broadcast_in_dim3A_32 : vector<256x1xi32> to vector<256x128xi32>
    %eq3A_50 = arith.cmpi eq, %iota3A, %eq3A_49 : vector<256x128xi32>
    %jit3A_51 = arith.constant 0.000000e+00 : f32
    %broadcast_in_dim3A_52 = vector.broadcast %jit3A_51 : f32 to vector<256x128xf32>
    %select_n3A_53 = arith.select %eq3A_50, %div3A_16, %broadcast_in_dim3A_52 : vector<256x128xi1>, vector<256x128xf32>
    %reduce_sum3A_54 = arith.constant dense<0.000000e+00> : vector<256xf32>
    %reduce_sum3A_55 = vector.multi_reduction <add>, %select_n3A_53, %reduce_sum3A_54 [1] : vector<256x128xf32> to vector<256xf32>
    %broadcast_in_dim3A_56 = vector.shape_cast %reduce_sum3A_55 : vector<256xf32> to vector<256x1xf32>
    %eq3A_57 = vector.broadcast %broadcast_in_dim3A_48 : vector<256x1xi32> to vector<256x128xi32>
    %eq3A_58 = arith.cmpi eq, %iota3A, %eq3A_57 : vector<256x128xi32>
    %jit3A_59 = arith.constant 0.000000e+00 : f32
    %broadcast_in_dim3A_60 = vector.broadcast %jit3A_59 : f32 to vector<256x128xf32>
    %select_n3A_61 = arith.select %eq3A_58, %div3A_16, %broadcast_in_dim3A_60 : vector<256x128xi1>, vector<256x128xf32>
    %reduce_sum3A_62 = arith.constant dense<0.000000e+00> : vector<256xf32>
    %reduce_sum3A_63 = vector.multi_reduction <add>, %select_n3A_61, %reduce_sum3A_62 [1] : vector<256x128xf32> to vector<256xf32>
    %broadcast_in_dim3A_64 = vector.shape_cast %reduce_sum3A_63 : vector<256xf32> to vector<256x1xf32>
    %slice3A_65 = vector.extract_strided_slice %iota3A {offsets = [0, 0], sizes = [256, 8], strides = [1, 1]} : vector<256x128xi32> to vector<256x8xi32>
    %slice3A_66 = vector.extract_strided_slice %div3A_16 {offsets = [0, 0], sizes = [256, 8], strides = [1, 1]} : vector<256x128xf32> to vector<256x8xf32>
    %swap3A = arith.constant 0 : index
    %swap3A_67 = arith.constant 0 : index
    %swap3A_68 = vector.load %arg4[%swap3A, %swap3A_67] : memref<256x8xf32, #tpu.memory_space<vmem>>, vector<256x8xf32>
    tpu.vector_store %arg4[%swap3A, %swap3A_67], %slice3A_66 {strides = array<i32>} : memref<256x8xf32, #tpu.memory_space<vmem>>, vector<256x8xf32>,
    %eq3A_69 = arith.constant 0 : i32
    %eq3A_70 = vector.broadcast %eq3A_69 : i32 to vector<256x8xi32>
    %eq3A_71 = arith.cmpi eq, %slice3A_65, %eq3A_70 : vector<256x8xi32>
    %eq3A_72 = arith.constant 1 : i32
    %eq3A_73 = vector.broadcast %eq3A_72 : i32 to vector<256x8xi32>
    %eq3A_74 = arith.cmpi eq, %slice3A_65, %eq3A_73 : vector<256x8xi32>
    %jit3A_75 = arith.constant 0 : i32
    %broadcast_in_dim3A_76 = vector.shape_cast %broadcast_in_dim3A_48 : vector<256x1xi32> to vector<256x1xi32>
    %broadcast_in_dim3A_77 = vector.broadcast %broadcast_in_dim3A_76 : vector<256x1xi32> to vector<256x8xi32>
    %broadcast_in_dim3A_78 = vector.broadcast %jit3A_75 : i32 to vector<256x8xi32>
    %select_n3A_79 = arith.select %eq3A_74, %broadcast_in_dim3A_77, %broadcast_in_dim3A_78 : vector<256x8xi1>, vector<256x8xi32>
    %broadcast_in_dim3A_80 = vector.shape_cast %broadcast_in_dim3A_32 : vector<256x1xi32> to vector<256x1xi32>
    %broadcast_in_dim3A_81 = vector.broadcast %broadcast_in_dim3A_80 : vector<256x1xi32> to vector<256x8xi32>
    %select_n3A_82 = arith.select %eq3A_71, %broadcast_in_dim3A_81, %select_n3A_79 : vector<256x8xi1>, vector<256x8xi32>
    %swap3A_83 = arith.constant 0 : index
    %swap3A_84 = arith.constant 0 : index
    %swap3A_85 = vector.load %arg5[%swap3A_83, %swap3A_84] : memref<256x8xi32, #tpu.memory_space<vmem>>, vector<256x8xi32>
    tpu.vector_store %arg5[%swap3A_83, %swap3A_84], %select_n3A_82 {strides = array<i32>} : memref<256x8xi32, #tpu.memory_space<vmem>>, vector<256x8xi32>,
    %eq3A_86 = arith.constant 0 : i32
    %eq3A_87 = vector.broadcast %eq3A_86 : i32 to vector<256x8xi32>
    %eq3A_88 = arith.cmpi eq, %slice3A_65, %eq3A_87 : vector<256x8xi32>
    %eq3A_89 = arith.constant 1 : i32
    %eq3A_90 = vector.broadcast %eq3A_89 : i32 to vector<256x8xi32>
    %eq3A_91 = arith.cmpi eq, %slice3A_65, %eq3A_90 : vector<256x8xi32>
    %jit3A_92 = arith.constant 0.000000e+00 : f32
    %broadcast_in_dim3A_93 = vector.shape_cast %broadcast_in_dim3A_64 : vector<256x1xf32> to vector<256x1xf32>
    %broadcast_in_dim3A_94 = vector.broadcast %broadcast_in_dim3A_93 : vector<256x1xf32> to vector<256x8xf32>
    %broadcast_in_dim3A_95 = vector.broadcast %jit3A_92 : f32 to vector<256x8xf32>
    %select_n3A_96 = arith.select %eq3A_91, %broadcast_in_dim3A_94, %broadcast_in_dim3A_95 : vector<256x8xi1>, vector<256x8xf32>
    %broadcast_in_dim3A_97 = vector.shape_cast %broadcast_in_dim3A_56 : vector<256x1xf32> to vector<256x1xf32>
    %broadcast_in_dim3A_98 = vector.broadcast %broadcast_in_dim3A_97 : vector<256x1xf32> to vector<256x8xf32>
    %select_n3A_99 = arith.select %eq3A_88, %broadcast_in_dim3A_98, %select_n3A_96 : vector<256x8xi1>, vector<256x8xf32>
    %swap3A_100 = arith.constant 0 : index
    %swap3A_101 = arith.constant 0 : index
    %swap3A_102 = vector.load %arg6[%swap3A_100, %swap3A_101] : memref<256x8xf32, #tpu.memory_space<vmem>>, vector<256x8xf32>
    tpu.vector_store %arg6[%swap3A_100, %swap3A_101], %select_n3A_99 {strides = array<i32>} : memref<256x8xf32, #tpu.memory_space<vmem>>, vector<256x8xf32>,
    return
  }
  func.func @transform_0(%arg0: i32) -> (i32, i32) {
    %c0_i32 = arith.constant 0 : i32
    %c0_i32_0 = arith.constant 0 : i32
    return %arg0, %c0_i32 : i32, i32
  }
  func.func @transform_1(%arg0: i32) -> (i32, i32) {
    %c0_i32 = arith.constant 0 : i32
    %c0_i32_0 = arith.constant 0 : i32
    %c0_i32_1 = arith.constant 0 : i32
    return %c0_i32, %c0_i32_0 : i32, i32
  }
  func.func @transform_2(%arg0: i32) -> (i32, i32) {
    %c0_i32 = arith.constant 0 : i32
    %c0_i32_0 = arith.constant 0 : i32
    %c0_i32_1 = arith.constant 0 : i32
    return %c0_i32, %c0_i32_0 : i32, i32
  }
  func.func @transform_3(%arg0: i32) -> (i32, i32) {
    %c0_i32 = arith.constant 0 : i32
    %c0_i32_0 = arith.constant 0 : i32
    return %arg0, %c0_i32 : i32, i32
  }
  func.func @transform_4(%arg0: i32) -> (i32, i32) {
    %c0_i32 = arith.constant 0 : i32
    %c0_i32_0 = arith.constant 0 : i32
    return %arg0, %c0_i32 : i32, i32
  }
  func.func @transform_5(%arg0: i32) -> (i32, i32) {
    %c0_i32 = arith.constant 0 : i32
    %c0_i32_0 = arith.constant 0 : i32
    return %arg0, %c0_i32 : i32, i32
  }
}

module attributes {stable_mosaic.version = 14 : i64} {
  func.func @_routed_body(%arg0: i32, %arg1: memref<24xi32, #tpu.memory_space<smem>>, %arg2: memref<256x1024xf32, #tpu.memory_space<vmem>>, %arg3: memref<1x2048x1024xf32, #tpu.memory_space<vmem>>, %arg4: memref<1x1x2048xf32, #tpu.memory_space<vmem>>, %arg5: memref<1x1024x2048xf32, #tpu.memory_space<vmem>>, %arg6: memref<1x1x1024xf32, #tpu.memory_space<vmem>>, %arg7: memref<256x1024xf32, #tpu.memory_space<vmem>>) attributes {dimension_semantics = [#tpu.dimension_semantics<arbitrary>], iteration_bounds = array<i64: 24>, scalar_prefetch = 1 : i64, scratch_operands = 0 : i64, tpu.core_type = #tpu.core_type<tc>, window_params = [{transform_indices = @transform_0, window_bounds = array<i64: 256, 1024>}, {transform_indices = @transform_1, window_bounds = array<i64: 1, 2048, 1024>}, {transform_indices = @transform_2, window_bounds = array<i64: 1, 1, 2048>}, {transform_indices = @transform_3, window_bounds = array<i64: 1, 1024, 2048>}, {transform_indices = @transform_4, window_bounds = array<i64: 1, 1, 1024>}, {transform_indices = @transform_5, window_bounds = array<i64: 256, 1024>}]} {
    %get3A = arith.constant 0 : index
    %get3A_0 = arith.constant 0 : index
    %get3A_1 = vector.load %arg2[%get3A, %get3A_0] : memref<256x1024xf32, #tpu.memory_space<vmem>>, vector<256x1024xf32>
    %get3A_2 = arith.constant 0 : index
    %get3A_3 = arith.constant 0 : index
    %get3A_4 = arith.constant 0 : index
    %get3A_5 = vector.load %arg3[%get3A_2, %get3A_3, %get3A_4] : memref<1x2048x1024xf32, #tpu.memory_space<vmem>>, vector<1x2048x1024xf32>
    %squeeze3A = vector.shape_cast %get3A_5 : vector<1x2048x1024xf32> to vector<2048x1024xf32>
    %dot_general3A = arith.constant dense<0.000000e+00> : vector<256x2048xf32>
    %dot_general3A_6 = tpu.matmul %get3A_1, %squeeze3A, %dot_general3A {dimension_numbers = #tpu.dot_dimension_numbers<[1], [1], [0], [0], [0, 0, 1, 0], [], []>, transpose_lhs_hint = false} : vector<256x1024xf32>, vector<2048x1024xf32>, vector<256x2048xf32> -> vector<256x2048xf32>
    %get3A_7 = arith.constant 0 : index
    %get3A_8 = arith.constant 0 : index
    %get3A_9 = arith.constant 0 : index
    %get3A_10 = vector.load %arg4[%get3A_7, %get3A_8, %get3A_9] : memref<1x1x2048xf32, #tpu.memory_space<vmem>>, vector<1x1x2048xf32>
    %squeeze3A_11 = vector.shape_cast %get3A_10 : vector<1x1x2048xf32> to vector<1x2048xf32>
    %add3A = vector.broadcast %squeeze3A_11 : vector<1x2048xf32> to vector<256x2048xf32>
    %add3A_12 = arith.addf %dot_general3A_6, %add3A : vector<256x2048xf32>
    %logistic3A = arith.negf %add3A_12 : vector<256x2048xf32>
    %logistic3A_13 = math.exp %logistic3A : vector<256x2048xf32>
    %logistic3A_14 = arith.constant 1.000000e+00 : f32
    %logistic3A_15 = vector.broadcast %logistic3A_14 : f32 to vector<256x2048xf32>
    %logistic3A_16 = arith.addf %logistic3A_15, %logistic3A_13 : vector<256x2048xf32>
    %logistic3A_17 = arith.divf %logistic3A_15, %logistic3A_16 : vector<256x2048xf32>
    %mul3A = arith.mulf %add3A_12, %logistic3A_17 : vector<256x2048xf32>
    %get3A_18 = arith.constant 0 : index
    %get3A_19 = arith.constant 0 : index
    %get3A_20 = arith.constant 0 : index
    %get3A_21 = vector.load %arg5[%get3A_18, %get3A_19, %get3A_20] : memref<1x1024x2048xf32, #tpu.memory_space<vmem>>, vector<1x1024x2048xf32>
    %squeeze3A_22 = vector.shape_cast %get3A_21 : vector<1x1024x2048xf32> to vector<1024x2048xf32>
    %dot_general3A_23 = arith.constant dense<0.000000e+00> : vector<256x1024xf32>
    %dot_general3A_24 = tpu.matmul %mul3A, %squeeze3A_22, %dot_general3A_23 {dimension_numbers = #tpu.dot_dimension_numbers<[1], [1], [0], [0], [0, 0, 1, 0], [], []>, transpose_lhs_hint = false} : vector<256x2048xf32>, vector<1024x2048xf32>, vector<256x1024xf32> -> vector<256x1024xf32>
    %get3A_25 = arith.constant 0 : index
    %get3A_26 = arith.constant 0 : index
    %get3A_27 = arith.constant 0 : index
    %get3A_28 = vector.load %arg6[%get3A_25, %get3A_26, %get3A_27] : memref<1x1x1024xf32, #tpu.memory_space<vmem>>, vector<1x1x1024xf32>
    %squeeze3A_29 = vector.shape_cast %get3A_28 : vector<1x1x1024xf32> to vector<1x1024xf32>
    %add3A_30 = vector.broadcast %squeeze3A_29 : vector<1x1024xf32> to vector<256x1024xf32>
    %add3A_31 = arith.addf %dot_general3A_24, %add3A_30 : vector<256x1024xf32>
    %swap3A = arith.constant 0 : index
    %swap3A_32 = arith.constant 0 : index
    %swap3A_33 = vector.load %arg7[%swap3A, %swap3A_32] : memref<256x1024xf32, #tpu.memory_space<vmem>>, vector<256x1024xf32>
    tpu.vector_store %arg7[%swap3A, %swap3A_32], %add3A_31 {strides = array<i32>} : memref<256x1024xf32, #tpu.memory_space<vmem>>, vector<256x1024xf32>,
    return
  }
  func.func @transform_0(%arg0: i32, %arg1: memref<24xi32, #tpu.memory_space<smem>>) -> (i32, i32) {
    %c0_i32 = arith.constant 0 : i32
    %c0_i32_0 = arith.constant 0 : i32
    return %arg0, %c0_i32 : i32, i32
  }
  func.func @transform_1(%arg0: i32, %arg1: memref<24xi32, #tpu.memory_space<smem>>) -> (i32, i32, i32) {
    %get3A = arith.index_cast %arg0 : i32 to index
    %get3A_0 = memref.load %arg1[%get3A] : memref<24xi32, #tpu.memory_space<smem>>
    %c0_i32 = arith.constant 0 : i32
    %c0_i32_1 = arith.constant 0 : i32
    %c0_i32_2 = arith.constant 0 : i32
    return %get3A_0, %c0_i32, %c0_i32_1 : i32, i32, i32
  }
  func.func @transform_2(%arg0: i32, %arg1: memref<24xi32, #tpu.memory_space<smem>>) -> (i32, i32, i32) {
    %get3A = arith.index_cast %arg0 : i32 to index
    %get3A_0 = memref.load %arg1[%get3A] : memref<24xi32, #tpu.memory_space<smem>>
    %c0_i32 = arith.constant 0 : i32
    %c0_i32_1 = arith.constant 0 : i32
    %c0_i32_2 = arith.constant 0 : i32
    return %get3A_0, %c0_i32, %c0_i32_1 : i32, i32, i32
  }
  func.func @transform_3(%arg0: i32, %arg1: memref<24xi32, #tpu.memory_space<smem>>) -> (i32, i32, i32) {
    %get3A = arith.index_cast %arg0 : i32 to index
    %get3A_0 = memref.load %arg1[%get3A] : memref<24xi32, #tpu.memory_space<smem>>
    %c0_i32 = arith.constant 0 : i32
    %c0_i32_1 = arith.constant 0 : i32
    %c0_i32_2 = arith.constant 0 : i32
    return %get3A_0, %c0_i32, %c0_i32_1 : i32, i32, i32
  }
  func.func @transform_4(%arg0: i32, %arg1: memref<24xi32, #tpu.memory_space<smem>>) -> (i32, i32, i32) {
    %get3A = arith.index_cast %arg0 : i32 to index
    %get3A_0 = memref.load %arg1[%get3A] : memref<24xi32, #tpu.memory_space<smem>>
    %c0_i32 = arith.constant 0 : i32
    %c0_i32_1 = arith.constant 0 : i32
    %c0_i32_2 = arith.constant 0 : i32
    return %get3A_0, %c0_i32, %c0_i32_1 : i32, i32, i32
  }
  func.func @transform_5(%arg0: i32, %arg1: memref<24xi32, #tpu.memory_space<smem>>) -> (i32, i32) {
    %c0_i32 = arith.constant 0 : i32
    %c0_i32_0 = arith.constant 0 : i32
    return %arg0, %c0_i32 : i32, i32
  }
}

module attributes {stable_mosaic.version = 14 : i64} {
  func.func @_shared_body(%arg0: i32, %arg1: memref<256x1024xf32, #tpu.memory_space<vmem>>, %arg2: memref<2048x1024xf32, #tpu.memory_space<vmem>>, %arg3: memref<1x2048xf32, #tpu.memory_space<vmem>>, %arg4: memref<1024x2048xf32, #tpu.memory_space<vmem>>, %arg5: memref<1x1024xf32, #tpu.memory_space<vmem>>, %arg6: memref<256x1024xf32, #tpu.memory_space<vmem>>) attributes {dimension_semantics = [#tpu.dimension_semantics<arbitrary>], iteration_bounds = array<i64: 8>, scalar_prefetch = 0 : i64, scratch_operands = 0 : i64, tpu.core_type = #tpu.core_type<tc>, window_params = [{transform_indices = @transform_0, window_bounds = array<i64: 256, 1024>}, {pipeline_mode = #tpu.pipeline_mode<synchronous>, transform_indices = @transform_1, window_bounds = array<i64: 2048, 1024>}, {pipeline_mode = #tpu.pipeline_mode<synchronous>, transform_indices = @transform_2, window_bounds = array<i64: 1, 2048>}, {pipeline_mode = #tpu.pipeline_mode<synchronous>, transform_indices = @transform_3, window_bounds = array<i64: 1024, 2048>}, {pipeline_mode = #tpu.pipeline_mode<synchronous>, transform_indices = @transform_4, window_bounds = array<i64: 1, 1024>}, {transform_indices = @transform_5, window_bounds = array<i64: 256, 1024>}]} {
    %get3A = arith.constant 0 : index
    %get3A_0 = arith.constant 0 : index
    %get3A_1 = vector.load %arg1[%get3A, %get3A_0] : memref<256x1024xf32, #tpu.memory_space<vmem>>, vector<256x1024xf32>
    %get3A_2 = arith.constant 0 : index
    %get3A_3 = arith.constant 0 : index
    %get3A_4 = vector.load %arg2[%get3A_2, %get3A_3] : memref<2048x1024xf32, #tpu.memory_space<vmem>>, vector<2048x1024xf32>
    %dot_general3A = arith.constant dense<0.000000e+00> : vector<256x2048xf32>
    %dot_general3A_5 = tpu.matmul %get3A_1, %get3A_4, %dot_general3A {dimension_numbers = #tpu.dot_dimension_numbers<[1], [1], [0], [0], [0, 0, 1, 0], [], []>, transpose_lhs_hint = false} : vector<256x1024xf32>, vector<2048x1024xf32>, vector<256x2048xf32> -> vector<256x2048xf32>
    %get3A_6 = arith.constant 0 : index
    %get3A_7 = arith.constant 0 : index
    %get3A_8 = vector.load %arg3[%get3A_6, %get3A_7] : memref<1x2048xf32, #tpu.memory_space<vmem>>, vector<1x2048xf32>
    %squeeze3A = vector.shape_cast %get3A_8 : vector<1x2048xf32> to vector<2048xf32>
    %broadcast_in_dim3A = vector.shape_cast %squeeze3A : vector<2048xf32> to vector<1x2048xf32>
    %add3A = vector.broadcast %broadcast_in_dim3A : vector<1x2048xf32> to vector<256x2048xf32>
    %add3A_9 = arith.addf %dot_general3A_5, %add3A : vector<256x2048xf32>
    %logistic3A = arith.negf %add3A_9 : vector<256x2048xf32>
    %logistic3A_10 = math.exp %logistic3A : vector<256x2048xf32>
    %logistic3A_11 = arith.constant 1.000000e+00 : f32
    %logistic3A_12 = vector.broadcast %logistic3A_11 : f32 to vector<256x2048xf32>
    %logistic3A_13 = arith.addf %logistic3A_12, %logistic3A_10 : vector<256x2048xf32>
    %logistic3A_14 = arith.divf %logistic3A_12, %logistic3A_13 : vector<256x2048xf32>
    %mul3A = arith.mulf %add3A_9, %logistic3A_14 : vector<256x2048xf32>
    %get3A_15 = arith.constant 0 : index
    %get3A_16 = arith.constant 0 : index
    %get3A_17 = vector.load %arg4[%get3A_15, %get3A_16] : memref<1024x2048xf32, #tpu.memory_space<vmem>>, vector<1024x2048xf32>
    %dot_general3A_18 = arith.constant dense<0.000000e+00> : vector<256x1024xf32>
    %dot_general3A_19 = tpu.matmul %mul3A, %get3A_17, %dot_general3A_18 {dimension_numbers = #tpu.dot_dimension_numbers<[1], [1], [0], [0], [0, 0, 1, 0], [], []>, transpose_lhs_hint = false} : vector<256x2048xf32>, vector<1024x2048xf32>, vector<256x1024xf32> -> vector<256x1024xf32>
    %get3A_20 = arith.constant 0 : index
    %get3A_21 = arith.constant 0 : index
    %get3A_22 = vector.load %arg5[%get3A_20, %get3A_21] : memref<1x1024xf32, #tpu.memory_space<vmem>>, vector<1x1024xf32>
    %squeeze3A_23 = vector.shape_cast %get3A_22 : vector<1x1024xf32> to vector<1024xf32>
    %broadcast_in_dim3A_24 = vector.shape_cast %squeeze3A_23 : vector<1024xf32> to vector<1x1024xf32>
    %add3A_25 = vector.broadcast %broadcast_in_dim3A_24 : vector<1x1024xf32> to vector<256x1024xf32>
    %add3A_26 = arith.addf %dot_general3A_19, %add3A_25 : vector<256x1024xf32>
    %swap3A = arith.constant 0 : index
    %swap3A_27 = arith.constant 0 : index
    %swap3A_28 = vector.load %arg6[%swap3A, %swap3A_27] : memref<256x1024xf32, #tpu.memory_space<vmem>>, vector<256x1024xf32>
    tpu.vector_store %arg6[%swap3A, %swap3A_27], %add3A_26 {strides = array<i32>} : memref<256x1024xf32, #tpu.memory_space<vmem>>, vector<256x1024xf32>,
    return
  }
  func.func @transform_0(%arg0: i32) -> (i32, i32) {
    %c0_i32 = arith.constant 0 : i32
    %c0_i32_0 = arith.constant 0 : i32
    return %arg0, %c0_i32 : i32, i32
  }
  func.func @transform_1(%arg0: i32) -> (i32, i32) {
    %c0_i32 = arith.constant 0 : i32
    %c0_i32_0 = arith.constant 0 : i32
    %c0_i32_1 = arith.constant 0 : i32
    return %c0_i32, %c0_i32_0 : i32, i32
  }
  func.func @transform_2(%arg0: i32) -> (i32, i32) {
    %c0_i32 = arith.constant 0 : i32
    %c0_i32_0 = arith.constant 0 : i32
    %c0_i32_1 = arith.constant 0 : i32
    return %c0_i32, %c0_i32_0 : i32, i32
  }
  func.func @transform_3(%arg0: i32) -> (i32, i32) {
    %c0_i32 = arith.constant 0 : i32
    %c0_i32_0 = arith.constant 0 : i32
    %c0_i32_1 = arith.constant 0 : i32
    return %c0_i32, %c0_i32_0 : i32, i32
  }
  func.func @transform_4(%arg0: i32) -> (i32, i32) {
    %c0_i32 = arith.constant 0 : i32
    %c0_i32_0 = arith.constant 0 : i32
    %c0_i32_1 = arith.constant 0 : i32
    return %c0_i32, %c0_i32_0 : i32, i32
  }
  func.func @transform_5(%arg0: i32) -> (i32, i32) {
    %c0_i32 = arith.constant 0 : i32
    %c0_i32_0 = arith.constant 0 : i32
    return %arg0, %c0_i32 : i32, i32
  }
}

module attributes {stable_mosaic.version = 14 : i64} {
  func.func @_add3_body(%arg0: i32, %arg1: memref<512x1024xf32, #tpu.memory_space<vmem>>, %arg2: memref<512x1024xf32, #tpu.memory_space<vmem>>, %arg3: memref<512x1024xf32, #tpu.memory_space<vmem>>, %arg4: memref<512x8xf32, #tpu.memory_space<vmem>>, %arg5: memref<512x1024xf32, #tpu.memory_space<vmem>>) attributes {dimension_semantics = [#tpu.dimension_semantics<arbitrary>], iteration_bounds = array<i64: 4>, scalar_prefetch = 0 : i64, scratch_operands = 0 : i64, tpu.core_type = #tpu.core_type<tc>, window_params = [{transform_indices = @transform_0, window_bounds = array<i64: 512, 1024>}, {transform_indices = @transform_1, window_bounds = array<i64: 512, 1024>}, {transform_indices = @transform_2, window_bounds = array<i64: 512, 1024>}, {transform_indices = @transform_3, window_bounds = array<i64: 512, 8>}, {transform_indices = @transform_4, window_bounds = array<i64: 512, 1024>}]} {
    %get3A = arith.constant 0 : index
    %get3A_0 = arith.constant 0 : index
    %get3A_1 = vector.load %arg4[%get3A, %get3A_0] : memref<512x8xf32, #tpu.memory_space<vmem>>, vector<512x8xf32>
    %get3A_2 = arith.constant 0 : index
    %get3A_3 = arith.constant 0 : index
    %get3A_4 = vector.load %arg1[%get3A_2, %get3A_3] : memref<512x1024xf32, #tpu.memory_space<vmem>>, vector<512x1024xf32>
    %slice3A = vector.extract_strided_slice %get3A_1 {offsets = [0, 0], sizes = [512, 1], strides = [1, 1]} : vector<512x8xf32> to vector<512x1xf32>
    %get3A_5 = arith.constant 0 : index
    %get3A_6 = arith.constant 0 : index
    %get3A_7 = vector.load %arg2[%get3A_5, %get3A_6] : memref<512x1024xf32, #tpu.memory_space<vmem>>, vector<512x1024xf32>
    %mul3A = vector.broadcast %slice3A : vector<512x1xf32> to vector<512x1024xf32>
    %mul3A_8 = arith.mulf %mul3A, %get3A_7 : vector<512x1024xf32>
    %add3A = arith.addf %get3A_4, %mul3A_8 : vector<512x1024xf32>
    %slice3A_9 = vector.extract_strided_slice %get3A_1 {offsets = [0, 1], sizes = [512, 1], strides = [1, 1]} : vector<512x8xf32> to vector<512x1xf32>
    %get3A_10 = arith.constant 0 : index
    %get3A_11 = arith.constant 0 : index
    %get3A_12 = vector.load %arg3[%get3A_10, %get3A_11] : memref<512x1024xf32, #tpu.memory_space<vmem>>, vector<512x1024xf32>
    %mul3A_13 = vector.broadcast %slice3A_9 : vector<512x1xf32> to vector<512x1024xf32>
    %mul3A_14 = arith.mulf %mul3A_13, %get3A_12 : vector<512x1024xf32>
    %add3A_15 = arith.addf %add3A, %mul3A_14 : vector<512x1024xf32>
    %swap3A = arith.constant 0 : index
    %swap3A_16 = arith.constant 0 : index
    %swap3A_17 = vector.load %arg5[%swap3A, %swap3A_16] : memref<512x1024xf32, #tpu.memory_space<vmem>>, vector<512x1024xf32>
    tpu.vector_store %arg5[%swap3A, %swap3A_16], %add3A_15 {strides = array<i32>} : memref<512x1024xf32, #tpu.memory_space<vmem>>, vector<512x1024xf32>,
    return
  }
  func.func @transform_0(%arg0: i32) -> (i32, i32) {
    %c0_i32 = arith.constant 0 : i32
    %c0_i32_0 = arith.constant 0 : i32
    return %arg0, %c0_i32 : i32, i32
  }
  func.func @transform_1(%arg0: i32) -> (i32, i32) {
    %c0_i32 = arith.constant 0 : i32
    %c0_i32_0 = arith.constant 0 : i32
    return %arg0, %c0_i32 : i32, i32
  }
  func.func @transform_2(%arg0: i32) -> (i32, i32) {
    %c0_i32 = arith.constant 0 : i32
    %c0_i32_0 = arith.constant 0 : i32
    return %arg0, %c0_i32 : i32, i32
  }
  func.func @transform_3(%arg0: i32) -> (i32, i32) {
    %c0_i32 = arith.constant 0 : i32
    %c0_i32_0 = arith.constant 0 : i32
    return %arg0, %c0_i32 : i32, i32
  }
  func.func @transform_4(%arg0: i32) -> (i32, i32) {
    %c0_i32 = arith.constant 0 : i32
    %c0_i32_0 = arith.constant 0 : i32
    return %arg0, %c0_i32 : i32, i32
  }
}

</mosaic_0001>

<sc_bundles>
// kernel: gather_offload_async_start
scs
__scs_entry_jumppad:
0x0: {  	(pc) =	sbr.rel $0x88, $3  }
0x1: {  	(tag) =	ssettag $0x0;
	lr =	simm.s32 $0x1  }
0x2: {  	[smem:$0x3F96] =	sst lr;
	_ =	strace $0xD0000000  }
0x3: {  	_ = 	snop  }
0x4: {  	_ = 	snop  }
0x5: {  	_ = 	snop  }
0x6: {  	_ = 	snop  }
0x7: {  	_ = 	snop  }
__scs_overlays_trampoline_lowered:
0x8: {  	[smem:$0x3FA5] =	sst s0  }
0x9: {  	[smem:$0x3FA6] =	sst s1  }
0xa: {  	[smem:$0x3FA7] =	sst s2  }
0xb: {  	[smem:$0x3FA8] =	sst s3  }
0xc: {  	[smem:$0x3FA9] =	sst s4  }
0xd: {  	[smem:$0x3FAA] =	sst s5  }
0xe: {  	[smem:$0x3FAB] =	sst s6  }
0xf: {  	[smem:$0x3FAC] =	sst s7  }
0x10: {  	[smem:$0x3FAD] =	sst s8  }
0x11: {  	[smem:$0x3FAE] =	sst s9;
	s0 =	simm.s32 @!p0 $0x0  }
0x12: {  	s1 =	sld [smem:$0x3F94];
	s0 =	simm.s32 @p0 $0x1  }
0x13: {  	[smem:$0x3FAF] =	sst s0;
	s0 =	simm.s32 @!p1 $0x0  }
0x14: {  	s2 =	sld [smem:$0x3F93];
	s0 =	simm.s32 @p1 $0x1  }
0x15: {  	[smem:$0x3FB0] =	sst s0;
	s0 =	simm.s32 @!p2 $0x0  }
0x16: {  	s3 =	sld [smem:$0x3FDB];
	s0 =	simm.s32 @p2 $0x1  }
0x17: {  	s4 =	simm.s32 $0x1BF5;
	[smem:$0x3FB2] =	sst s0  }
0x18: {  	s0 =	sld [smem:$0x3F95];
	_ =	swait.ge [sflag:s4], $0x0  }
0x19: {  	s7 =	sld [smem:$0x3F96]  }
0x1a: {  	s8 =	sadd.s32 $0xFFFFE003, lr  }
0x1b: {  	s9 =	sadd.s32 $0xFFFFFEF7, lr;
	s5 =	simm.s32 $0xFFFFFFFF;
	p2 =	slt.u32 s8, $0xFFFFF086  }
0x1c: {  	p1 =	slt.u32 s9, $0xF7A;
	s5 =	simm.s32 @!p2 $0x0  }
0x1d: {  	s5 =	simm.s32 @p1 $0x1;
	p0 =	seq.s32 s7, s2  }
0x1e: {  	s7 =	smul.u32 @!p0 $0xF7A, s2;
	p2 =	seq.s32 @!p0 s5, $0x0  }
0x1f: {  	s9 =	smul.u32 $0xF7A, s1;
	s8 =	simm.s32 @!p0 $0x1BF5;
	p2 =	por !p2, p0  }
0x20: {  	[sflag:s8] =	ssyncset.s32 @!p0 $0xFFFFF086;
	s6 =	sadd.s32 @!p0 s3, s7;
	s7 =	simm.s32 @!p0 $0x108  }
0x21: {  	s3 =	sadd.s32 s3, s9;
	s6 =	sadd.s32 @!p0 $0x88, s6;
	s7 =	simm.s32 @p2 $0x1082  }
0x22: {  	[simem:s7], [sflag:s8] =	dma.local @!p0 [hbm:s6], $0xF7A  }
0x23: {  	s9 =	sor.u32 $0xD0000000, s2;
	s6 =	simm.s32 $0x108;
	_ =	swait.ge @!p0 [sflag:s8], $0x0  }
0x24: {  	s3 =	sadd.s32 $0x88, s3;
	s6 =	simm.s32 @!p1 $0x1082;
	[sflag:s4] =	ssyncset.s32 $0xFFFFF086  }
0x25: {  	[simem:s6], [sflag:s4] =	dma.local [hbm:s3], $0xF7A  }
0x26: {  	[smem:$0x3F96] =	sst s1;
	(tag) =	ssettag s2;
	_ =	strace s9  }
0x27: {  	s1 =	sld [smem:$0x3FA6]  }
0x28: {  	s2 =	sld [smem:$0x3FA7]  }
0x29: {  	s4 =	sld [smem:$0x3FA9]  }
0x2a: {  	p0 =	seq.s32 s5, $0x0;
	s5 =	sld [smem:$0x3FAA]  }
0x2b: {  	s6 =	sld [smem:$0x3FAB]  }
0x2c: {  	s7 =	sld [smem:$0x3FAC]  }
0x2d: {  	s3 =	simm.s32 $0x108;
	s8 =	sld [smem:$0x3FAD]  }
0x2e: {  	s3 =	simm.s32 @!p0 $0x1082;
	s9 =	sld [smem:$0x3FAE]  }
0x2f: {  	lr =	sadd.s32 s0, s3;
	s0 =	sld [smem:$0x3FA5]  }
0x30: {  	s3 =	sld [smem:$0x3FA8]  }
0x31: {  	[smem:$0x3FB1] =	sst s10  }
0x32: {  	s10 =	sld [smem:$0x3FAF];
	_ =	sdelay $0x3  }
0x33: {  	p0 =	seq.s32 s10, $0x1;
	s10 =	sld [smem:$0x3FB1];
	_ =	sdelay $0x3  }
0x34: {  	[smem:$0x3FB1] =	sst s10  }
0x35: {  	s10 =	sld [smem:$0x3FB0];
	_ =	sdelay $0x3  }
0x36: {  	p1 =	seq.s32 s10, $0x1;
	s10 =	sld [smem:$0x3FB1];
	_ =	sdelay $0x3  }
0x37: {  	[smem:$0x3FB1] =	sst s10  }
0x38: {  	s10 =	sld [smem:$0x3FB2]  }
0x39: {  	_ = 	snop;
	(pc) =	sbr.ind lr, $3  }
0x3a: {  	_ = 	snop  }
0x3b: {  	_ = 	snop  }
0x3c: {  	p2 =	seq.s32 s10, $0x1;
	s10 =	sld [smem:$0x3FB1]  }
0x3d: {  	_ =	shalt  }
0x3e: {  	_ =	shalt  }
0x3f: {  	_ =	shalt  }
0x40: {  	_ =	shalt  }
0x41: {  	_ =	shalt  }
0x42: {  	_ =	shalt  }
0x43: {  	_ =	shalt  }
0x44: {  	_ =	shalt  }
0x45: {  	_ =	shalt  }
0x46: {  	_ =	shalt  }
0x47: {  	_ =	shalt  }
0x48: {  	_ =	shalt  }
0x49: {  	_ =	shalt  }
0x4a: {  	_ =	shalt  }
0x4b: {  	_ =	shalt  }
0x4c: {  	_ =	shalt  }
0x4d: {  	_ =	shalt  }
0x4e: {  	_ =	shalt  }
0x4f: {  	_ =	shalt  }
0x50: {  	_ =	shalt  }
0x51: {  	_ =	shalt  }
0x52: {  	_ =	shalt  }
0x53: {  	_ =	shalt  }
0x54: {  	_ =	shalt  }
0x55: {  	_ =	shalt  }
0x56: {  	_ =	shalt  }
0x57: {  	_ =	shalt  }
0x58: {  	_ =	shalt  }
0x59: {  	_ =	shalt  }
0x5a: {  	_ =	shalt  }
0x5b: {  	_ =	shalt  }
0x5c: {  	_ =	shalt  }
0x5d: {  	_ =	shalt  }
0x5e: {  	_ =	shalt  }
0x5f: {  	_ =	shalt  }
0x60: {  	_ =	shalt  }
0x61: {  	_ =	shalt  }
0x62: {  	_ =	shalt  }
0x63: {  	_ =	shalt  }
0x64: {  	_ =	shalt  }
0x65: {  	_ =	shalt  }
0x66: {  	_ =	shalt  }
0x67: {  	_ =	shalt  }
0x68: {  	_ =	shalt  }
0x69: {  	_ =	shalt  }
0x6a: {  	_ =	shalt  }
0x6b: {  	_ =	shalt  }
0x6c: {  	_ =	shalt  }
0x6d: {  	_ =	shalt  }
0x6e: {  	_ =	shalt  }
0x6f: {  	_ =	shalt  }
0x70: {  	_ =	shalt  }
0x71: {  	_ =	shalt  }
0x72: {  	_ =	shalt  }
0x73: {  	_ =	shalt  }
0x74: {  	_ =	shalt  }
0x75: {  	_ =	shalt  }
0x76: {  	_ =	shalt  }
0x77: {  	_ =	shalt  }
0x78: {  	_ =	shalt  }
0x79: {  	_ =	shalt  }
0x7a: {  	_ =	shalt  }
0x7b: {  	_ =	shalt  }
0x7c: {  	_ =	shalt  }
0x7d: {  	_ =	shalt  }
0x7e: {  	_ =	shalt  }
0x7f: {  	_ =	shalt  }
0x80: {  	_ =	shalt  }
0x81: {  	_ =	shalt  }
0x82: {  	_ =	shalt  }
0x83: {  	_ =	shalt  }
0x84: {  	_ =	shalt  }
0x85: {  	_ =	shalt  }
0x86: {  	_ =	shalt  }
0x87: {  	_ =	shalt  }
.Lfunc_end0:
.L_simem_size_0:
called_computation_lowered:
.L_overlay_start_0:
0x88: {  	s2 =	sld [smem:$0x3FD9]  }
0x89: {  	s3 =	sld [smem:$0x3FFE];
	_ =	sdelay $0x1  }
0x8a: {  	s1 =	srdreg.scid  }
0x8b: {  	s0 =	sand.u32 $0x1, s1  }
0x8c: {  	s14 =	sshll.u32 s0, $0xA;
	s2 =	sadd.s32 s3, s2  }
0x8d: {  	s2 =	sadd.s32 s2, s14  }
0x8e: {  	[smem:$0x3FBD] =	sst s2  }
0x8f: {  	_ = 	snop  }
0x90: {  	s2 =	sld [smem:$0x3FD0];
	_ =	sdelay $0x2  }
0x91: {  	s15 =	simm.s32 $0xB;
	s4 =	simm.s32 $0x10  }
0x92: {  	[smem:s4], [sflag:s15] =	dma.local [hbm:s2], $0x1  }
0x93: {  	_ =	swait.eq [sflag:s15], $0x1  }
0x94: {  	[sflag:s15] =	ssyncset.done $0x0  }
0x95: {  	[sflag:s15] =	ssyncadd.s32 $0xFFFFFFFF  }
0x96: {  	s16 =	sld [smem:$0x10];
	(tm) =	ssettm $0x1  }
0x97: {  	s17 =	sld [smem:$0x3FFB];
	_ =	sdelay $0x3  }
0x98: {  	_ =	strace s17  }
0x99: {  	s3 =	sld [smem:$0x3FFC];
	_ =	sdelay $0x3  }
0x9a: {  	_ =	strace s3  }
0x9b: {  	s3 =	sld [smem:$0x3FFD];
	_ =	sdelay $0x3  }
0x9c: {  	_ =	strace s3  }
0x9d: {  	_ =	strace $0x8FFFFFFF  }
0x9e: {  	s18 =	sld [smem:$0x3FDB];
	_ =	sdelay $0x1  }
0x9f: {  	s19 =	simm.s32 $_scs_section_size  }
0xa0: {  	s5 =	simm.s32 $_size__tile_overlayer_lowered;
	s6 =	simm.s32 $_tile_overlayer_lowered  }
0xa1: {  	s22 =	simm.s32 $0x1BFF;
	s21 =	sshll.u32 s6, $0x1;
	s3 =	sadd.s32 s19, s18  }
0xa2: {  	s7 =	simm.s32 $0x0;
	s20 =	sshll.u32 s5, $0x1;
	s5 =	sadd.s32 s21, s3  }
0xa3: {  	[timem:s7], [sflag:s22] =	dma.local [hbm:s5], s20  }
0xa4: {  	_ =	swait.ge [sflag:s22], s20  }
0xa5: {  	s4 =	ssub.s32 $0x0, s20;
	[sflag:s22] =	ssyncset.done $0x0  }
0xa6: {  	[sflag:s22] =	ssyncadd.s32 s4;
	_ =	sdelay $0x1  }
0xa7: {  	s23 =	simm.s32 $0x1B8B  }
0xa8: {  	_ =	swait.ge [sflag:s23], $0x1  }
0xa9: {  	[sflag:s23] =	ssyncset.done $0x0  }
0xaa: {  	s25 =	simm.s32 $0x1B8E;
	s24 =	sld [smem:$0x3FFE];
	[sflag:s23] =	ssyncadd.s32 $0xFFFFFFFF  }
0xab: {  	s26 =	simm.s32 $execute0_lowered;
	[smem:$0x3FD2] =	sst s25  }
0xac: {  	s5 =	sshll.u32 s26, $0x1;
	_ =	strace $0x80000046;
	[dreg:$0x1] =	wrdreg $0xFFFFFFFF  }
0xad: {  	s28 =	simm.s32 $_size_execute0_lowered;
	s3 =	sadd.s32 s3, s5;
	[dreg:$0x0] =	wrdreg $0x0  }
0xae: {  	s5 =	sshll.u32 s28, $0x1;
	[dreg:$0x2] =	wrdreg s3  }
0xaf: {  	[dreg:$0x3] =	wrdreg s5  }
0xb0: {  	[dreg:$0x4] =	wrdreg $0xC0  }
0xb1: {  	_ =	task [dreg:s7], $0x5FFFF  }
0xb2: {  	[dreg:$0x1] =	wrdreg $0xFFFFFFFF  }
0xb3: {  	[dreg:$0x0] =	wrdreg $0x60  }
0xb4: {  	[dreg:$0x2] =	wrdreg s24  }
0xb5: {  	[dreg:$0x3] =	wrdreg s16  }
0xb6: {  	[dreg:$0x4] =	wrdreg $0x9  }
0xb7: {  	_ =	task.clear_ibuf [dreg:s7], $0x5FFFF;
	_ =	strace $0x90000046  }
0xb8: {  	s29 =	simm.s32 $0x9;
	_ =	strace $0x80000048  }
0xb9: {  	_ =	swait.ge [sflag:s29], $0x1  }
0xba: {  	[sflag:s29] =	ssyncadd.s32 $0xFFFFFFFF  }
0xbb: {  	_ =	strace $0x90000048  }
0xbc: {  	_ =	sfence  }
0xbd: {  	s30 =	sld [smem:$0x0];
	_ =	sdelay $0x2  }
0xbe: {  	s31 =	sshll.u32 s1, $0xD;
	s1 =	sshrl.u32 s1, $0x2  }
0xbf: {  	s3 =	sand.u32 $0x4000, s31;
	s1 =	sadd.s32 s1, s30  }
0xc0: {  	s0 =	sor.u32 s3, s0;
	s1 =	sshll.u32 s1, $0x11  }
0xc1: {  	s0 =	sor.u32 s1, s0  }
0xc2: {  	s0 =	sadd.s32 $0x8F2B, s0  }
0xc3: {  	[sflag:s0] =	ssyncadd.remote.s32 $0x1  }
0xc4: {  	_ =	sfence.sel $0xFFFF  }
0xc5: {  	[dreg:$0x0] =	wrdreg $0xFFFFFFFF;
	(pc) =	sbr.abs _section_cstart, $3  }
0xc6: {  	[dreg:$0x1] =	wrdreg $0xFFFFFFFF  }
0xc7: {  	_ =	task.clear_ibuf [dreg:s7], $0x2FFFF;
	_ =	strace $0x9FFFFFFF  }
0xc8: {  	(tm) =	ssettm $0x7FFFFFFF  }
0xc9: {  	_ =	shalt  }
tec
execute0_lowered:
.L_overlay_start_1:
0x0: {  	(tag) =	ssettag $0x1  }
0x1: {  	s1 =	srdreg.scid;
	s5 =	rddreg [dreg:$0x0]  }
0x2: {  	s0 =	stileid.u32;
	s2 =	rddreg [dreg:$0x1];
	s6 =	simm.s32 $0x1  }
0x3: {  	s9 =	simm.s32 $0x1;
	s10 =	simm.s32 $0x3;
	s1 =	sshll.u32 s1, $0x6  }
0x4: {  	s13 =	simm.s32 $0x0;
	s3 =	sshll.u32 s0, $0x7;
	s4 =	sand.u32 $0x40, s1  }
0x5: {  	s12 =	simm.s32 $0x0;
	s1 =	rddreg [dreg:$0x2];
	s3 =	sor.u32 s3, s4  }
0x6: {  	_ =	strace $0x80000047;
	s4 =	sadd.s32 $0x10800, s5;
	s8 =	ssub.s32 $0x1000, s3  }
.Ltmp0:
0x7: {  	s5 =	sadd.s32 $0x21600, s5;
	s7 =	sand.u32 $0x7C0, s8;
	(pc) =	sbr.rel .LBB2_1-.Ltmp0, $4  }
0x8: {  	[sflag:s6] =	ssyncpa.u1 $0x0;
	s11 =	smov.u32 s3;
	p0 =	sne.s32 s7, $0x0  }
0x9: {  	s8 =	sshrl.u32 s8, $0xB;
	s7 =	simm.s32 $0x2;
	s9 =	simm.s32 @!p0 $0x0  }
0xa: {  	[sflag:s7] =	ssyncpa.u1 $0x0;
	p0 =	por $0x0, $0x0;
	s8 =	sadd.s32 s9, s8  }
0xb: {  	vm0 =	vmmov $0xffff;
	[sflag:s10] =	ssyncpa.u1 $0x0;
	s10 =	simm.s32 $0x0;
	s9 =	sadd.s32 $0x1, s8  }
.LBB2_4:
0xc: {  	v5 =	vshrl.u32 v1, $0xC;
	v6 =	vshll.u32 v1, $0x7  }
0xd: {  	vm1 =	veq.s32 v1, $0x80000000;
	v58 =	vand.u32 $0x7, v5;
	v59 =	vand.u32 $0x7FF80, v6  }
0xe: {  	v1 =	vsel vm1, $0xFFFFFFFF, v58;
	v5 =	vsel vm1, $0xFFFFFF80, v59  }
0xf: {  	v3 =	vor.u32 v4, v3;
	v60 =	vand.u32 $0xFFFFFC00, v5;
	v61 =	vand.u32 $0xFFFFFC00, v1  }
0x10: {  	v2 =	vor.u32 v2, v3;
	v63 =	vand.u32 $0x380, v5;
	v62 =	vadd.s32 v61, v60  }
0x11: {  	v1 =	vand.u32 $0x7F, v1;
	v3 =	vor.u32 v63, v62  }
0x12: {  	v1 =	vor.u32 v1, v3  }
0x13: {  	[tilespmem:s15], [sflag:$0x1] =	stream.indirect_vreg.gather [hbm4b:s4+s10], $0x1, v0, vm0, $0x4038;
	[tilespmem:$0x100] =	vst v63  }
0x14: {  	(ifvalue) =	ssetifvalue $0x7FFFFFFF  }
0x15: {  	[tilespmem:s16], [sflag:$0x1] =	stream.indirect_vreg.gather [hbm4b:s4+s10], $0x1, v2, vm0, $0x4038;
	[tilespmem:$0x100] =	vst v63  }
0x16: {  	s29 =	sadd.s32 $0x10, s16;
	(ifvalue) =	ssetifvalue $0x7FFFFFFF  }
0x17: {  	[tilespmem:s29], [sflag:$0x1] =	stream.indirect_vreg.gather [hbm4b:s4+s10], $0x1, v1, vm0, $0x4038;
	[tilespmem:$0x100] =	vst v63  }
0x18: {  	_ =	swait.ge [sflag:s6], $0x40  }
0x19: {  	s30 =	sshrl.u32 s13, $0x3;
	[sflag:s6] =	ssyncset.done $0x0  }
0x1a: {  	s31 =	sand.u32 $0x7, s13;
	s15 =	sadd.s32 s5, s30;
	[sflag:s6] =	ssyncadd.s32 $0xFFFFFFC0  }
0x1b: {  	[hbm4b:s15+s31] =	stream.linear.scatter [tilespmem:s14], [sflag:$0x3], $0x40, $0x38;
	[tilespmem:$0x100] =	vst v63  }
.LBB2_5:
0x1c: {  	s15 =	sadd.s32 $0x800, s11  }
0x1d: {  	p2 =	sgt.s32 s15, $0xFFF  }
0x1e: {  	s15 =	smov.u32 @p2 s3;
	p2 =	sne.s32 s12, s9  }
.Ltmp1:
0x1f: {  	p1 =	slt.u32 s12, $0x2;
	(pc) =	sbr.rel @!p2 .LBB2_6-.Ltmp1, $4  }
0x20: {  	s14 =	simm.s32 @!p1 $0x3  }
0x21: {  	s16 =	sadd.s32 $0x1, s12;
	_ =	swait.ge @!p1 [sflag:s14], $0x40  }
0x22: {  	s13 =	smov.u32 s11;
	p0 =	por !p0, !p0;
	[sflag:s14] =	ssyncset.done @!p1 $0x0  }
0x23: {  	s12 =	smov.u32 s16;
	s11 =	smov.u32 s15;
	[sflag:s14] =	ssyncadd.s32 @!p1 $0xFFFFFFC0  }
.LBB2_1:
0x24: {  	p1 =	sge.u32 s12, s8  }
0x25: {  	s14 =	sxor.u32 @!p1 $0xFFFFFFFF, s12  }
0x26: {  	s31 =	sadd.s32 $0xFFFFFFFF, s12;
	s15 =	sshrl.u32 @!p1 s11, $0x3;
	s14 =	sshll.u32 @!p1 s14, $0x6  }
0x27: {  	s16 =	sand.u32 @!p1 $0x7, s11;
	s15 =	sadd.s32 @!p1 s2, s15;
	s14 =	sand.u32 @!p1 $0x40, s14  }
0x28: {  	[tilespmem:s14], [sflag:$0x2] =	stream.linear.gather @!p1 [hbm4b:s15+s16], $0x40, $0x38;
	[tilespmem:$0x100] =	vst v63  }
0x29: {  	p1 =	sge.u32 s31, s8  }
.Ltmp2:
0x2a: {  	_ = 	snop;
	(pc) =	sbr.rel @p1 .LBB2_5-.Ltmp2, $1  }
0x2b: {  	_ =	sdelay $0x3  }
0x2c: {  	s14 =	simm.s32 $0x1  }
0x2d: {  	_ =	swait.ge [sflag:s7], $0x40;
	s14 =	simm.s32 @!p0 $0x0  }
0x2e: {  	[sflag:s7] =	ssyncset.done $0x0;
	s14 =	sshll.u32 s14, $0x6  }
0x2f: {  	[sflag:s7] =	ssyncadd.s32 $0xFFFFFFC0;
	(ifvalue) =	ssetifvalue $0x7FFFFFFF;
	v0 =	vld.msk [tilespmem:s14+$0x0 ss:$0x1], $0xffff;
	_ =	sdelay $0x4  }
0x30: {  	s15 =	sadd.s32 $0x10, s14;
	v2 =	vshrl.u32 v0, $0xC;
	v3 =	vshll.u32 v0, $0x7  }
0x31: {  	v1 =	vld.msk [tilespmem:s15+$0x0 ss:$0x1], $0xffff;
	vm1 =	veq.s32 v0, $0x80000000;
	v0 =	vand.u32 $0x7, v2;
	v2 =	vand.u32 $0x7FF80, v3  }
0x32: {  	v0 =	vsel vm1, $0xFFFFFFFF, v0;
	v2 =	vsel vm1, $0xFFFFFF80, v2  }
0x33: {  	v3 =	vand.u32 $0xFFFFFC00, v2;
	v4 =	vand.u32 $0xFFFFFC00, v0  }
0x34: {  	v2 =	vand.u32 $0x380, v2;
	v3 =	vadd.s32 v4, v3  }
0x35: {  	v0 =	vand.u32 $0x7F, v0;
	v2 =	vor.u32 v2, v3  }
0x36: {  	v5 =	vshll.u32 v1, $0x7;
	v4 =	vshrl.u32 v1, $0xC;
	v0 =	vor.u32 v0, v2  }
0x37: {  	s16 =	sshll.u32 s12, $0x6;
	vm1 =	veq.s32 v1, $0x80000000;
	v1 =	vand.u32 $0x7, v4;
	v4 =	vand.u32 $0x7FF80, v5  }
0x38: {  	s16 =	sand.u32 $0x40, s16;
	s18 =	sadd.s32 $0x10, s15;
	v3 =	vsel vm1, $0xFFFFFFFF, v1;
	v4 =	vsel vm1, $0xFFFFFF80, v4  }
0x39: {  	s17 =	simm.s32 $0x20;
	s15 =	sor.u32 $0x80, s14;
	s14 =	sor.u32 $0x80, s16;
	v1 =	vld.msk [tilespmem:s18+$0x0 ss:$0x1], $0xffff;
	v5 =	vand.u32 $0xFFFFFC00, v4;
	v6 =	vand.u32 $0xFFFFFC00, v3  }
0x3a: {  	s16 =	sadd.s32 $0x10, s15;
	s18 =	sadd.s32 $0x10, s18;
	(ifvalue) =	ssetifvalue $0x7FFFFFFF;
	v2 =	vand.u32 $0x7F, v3;
	v4 =	vand.u32 $0x380, v4;
	v3 =	vadd.s32 v6, v5  }
.LBB2_3:
0x3b: {  	[tilespmem:s15], [sflag:$0x1] =	stream.indirect_vreg.gather [hbm4b:s4+s10], $0x1, v0, vm0, $0x4038;
	[tilespmem:$0x100] =	vst v63  }
0x3c: {  	s17 =	sadd.s32 $0x10, s17  }
0x3d: {  	v3 =	vor.u32 v4, v3;
	p1 =	slt.u32 s17, $0x30  }
.Ltmp3:
0x3e: {  	v4 =	vshrl.u32 v1, $0xC;
	v5 =	vshll.u32 v1, $0x7;
	s15 =	smov.u32 s16;
	v0 =	vor.u32 v2, v3;
	v2 =	vmovc v1;
	v1 =	vld.msk [tilespmem:s18+$0x0 ss:$0x1], $0xffff;
	(pc) =	sbr.rel @p1 .LBB2_3-.Ltmp3, $4  }
0x3f: {  	v3 =	vand.u32 $0x7FF80, v5;
	vm1 =	veq.s32 v2, $0x80000000;
	v2 =	vand.u32 $0x7, v4  }
0x40: {  	v4 =	vsel vm1, $0xFFFFFFFF, v2;
	v5 =	vsel vm1, $0xFFFFFF80, v3  }
0x41: {  	v2 =	vand.u32 $0x7F, v4;
	v3 =	vand.u32 $0xFFFFFC00, v5;
	v4 =	vand.u32 $0xFFFFFC00, v4  }
0x42: {  	s16 =	sadd.s32 $0x10, s16;
	s18 =	sadd.s32 $0x10, s18;
	v3 =	vadd.s32 v4, v3;
	v4 =	vand.u32 $0x380, v5;
	(ifvalue) =	ssetifvalue $0x7FFFFFFF  }
.Ltmp4:
0x43: {  	_ = 	snop;
	(pc) =	sbr.rel .LBB2_4-.Ltmp4, $1  }
0x44: {  	_ =	sdelay $0x3  }
.LBB2_6:
0x45: {  	_ =	sfence.sel $0x180000  }
0x46: {  	s2 =	simm.s32 $0x2;
	[bflag:$0x0] =	sbarrier.arrive $0xFFFF  }
0x47: {  	s30 =	simm.s32 $0x3;
	[sflag:s2] =	ssyncpa.u1 $0x1  }
0x48: {  	s31 =	simm.s32 $0x1;
	[sflag:s30] =	ssyncpa.u1 $0x1  }
0x49: {  	[sflag:s31] =	ssyncpa.u1 $0x1  }
0x4a: {  	p0 =	sne.s32 s0, $0x0;
	_ =	strace $0x90000047  }
0x4b: {  	s0 =	sadd.s32 @!p0 $0x100000, s1;
	[bflag:$0x2] =	sbarrier.arrive $0xFFFF  }
0x4c: {  	[sflag:s0] =	ssyncadd.tile.s32 @!p0 $0x1;
	_ =	shalt  }
.Lfunc_end2:
_tile_overlayer_lowered:
.L_overlay_start_2:
0x4d: {  	(tag) =	ssettag $0x2  }
0x4e: {  	s0 =	rddreg [dreg:$0x0];
	s2 =	stileid.u32  }
0x4f: {  	s1 =	rddreg [dreg:$0x1];
	p0 =	sne.s32 s2, $0x0  }
0x50: {  	s3 =	rddreg [dreg:$0x2];
	[bflag:$0x3] =	sbarrier.arrive $0xFFFF;
	s2 =	simm.s32 @!p0 $0x1C01  }
0x51: {  	[timem:s3], [sflag:s2] =	dma.local @!p0 [hbm:s0], s1  }
0x52: {  	s0 =	simm.s32 @!p0 $0x1  }
0x53: {  	_ =	swait.ge @!p0 [sflag:s0], s1  }
0x54: {  	s1 =	ssub.s32 @!p0 $0x0, s1;
	[sflag:s0] =	ssyncset.done @!p0 $0x0  }
0x55: {  	[sflag:s0] =	ssyncadd.s32 @!p0 s1  }
0x56: {  	[bflag:$0x3] =	sbarrier.arrive $0xFFFF  }
0x57: {  	_ =	shalt  }

// kernel: kernel.12.cloned.1.call-start
scs
__scs_entry_jumppad:
0x0: {  	(pc) =	sbr.rel $0x88, $3  }
0x1: {  	(tag) =	ssettag $0x0;
	lr =	simm.s32 $0x1  }
0x2: {  	[smem:$0x3F96] =	sst lr;
	_ =	strace $0xD0000000  }
0x3: {  	_ = 	snop  }
0x4: {  	_ = 	snop  }
0x5: {  	_ = 	snop  }
0x6: {  	_ = 	snop  }
0x7: {  	_ = 	snop  }
__scs_overlays_trampoline_lowered:
0x8: {  	[smem:$0x3FA5] =	sst s0  }
0x9: {  	[smem:$0x3FA6] =	sst s1  }
0xa: {  	[smem:$0x3FA7] =	sst s2  }
0xb: {  	[smem:$0x3FA8] =	sst s3  }
0xc: {  	[smem:$0x3FA9] =	sst s4  }
0xd: {  	[smem:$0x3FAA] =	sst s5  }
0xe: {  	[smem:$0x3FAB] =	sst s6  }
0xf: {  	[smem:$0x3FAC] =	sst s7  }
0x10: {  	[smem:$0x3FAD] =	sst s8  }
0x11: {  	[smem:$0x3FAE] =	sst s9;
	s0 =	simm.s32 @!p0 $0x0  }
0x12: {  	s1 =	sld [smem:$0x3F94];
	s0 =	simm.s32 @p0 $0x1  }
0x13: {  	[smem:$0x3FAF] =	sst s0;
	s0 =	simm.s32 @!p1 $0x0  }
0x14: {  	s2 =	sld [smem:$0x3F93];
	s0 =	simm.s32 @p1 $0x1  }
0x15: {  	[smem:$0x3FB0] =	sst s0;
	s0 =	simm.s32 @!p2 $0x0  }
0x16: {  	s3 =	sld [smem:$0x3FDB];
	s0 =	simm.s32 @p2 $0x1  }
0x17: {  	s4 =	simm.s32 $0x1BF5;
	[smem:$0x3FB2] =	sst s0  }
0x18: {  	s0 =	sld [smem:$0x3F95];
	_ =	swait.ge [sflag:s4], $0x0  }
0x19: {  	s7 =	sld [smem:$0x3F96]  }
0x1a: {  	s8 =	sadd.s32 $0xFFFFE003, lr  }
0x1b: {  	s9 =	sadd.s32 $0xFFFFFEF7, lr;
	s5 =	simm.s32 $0xFFFFFFFF;
	p2 =	slt.u32 s8, $0xFFFFF086  }
0x1c: {  	p1 =	slt.u32 s9, $0xF7A;
	s5 =	simm.s32 @!p2 $0x0  }
0x1d: {  	s5 =	simm.s32 @p1 $0x1;
	p0 =	seq.s32 s7, s2  }
0x1e: {  	s7 =	smul.u32 @!p0 $0xF7A, s2;
	p2 =	seq.s32 @!p0 s5, $0x0  }
0x1f: {  	s9 =	smul.u32 $0xF7A, s1;
	s8 =	simm.s32 @!p0 $0x1BF5;
	p2 =	por !p2, p0  }
0x20: {  	[sflag:s8] =	ssyncset.s32 @!p0 $0xFFFFF086;
	s6 =	sadd.s32 @!p0 s3, s7;
	s7 =	simm.s32 @!p0 $0x108  }
0x21: {  	s3 =	sadd.s32 s3, s9;
	s6 =	sadd.s32 @!p0 $0x88, s6;
	s7 =	simm.s32 @p2 $0x1082  }
0x22: {  	[simem:s7], [sflag:s8] =	dma.local @!p0 [hbm:s6], $0xF7A  }
0x23: {  	s9 =	sor.u32 $0xD0000000, s2;
	s6 =	simm.s32 $0x108;
	_ =	swait.ge @!p0 [sflag:s8], $0x0  }
0x24: {  	s3 =	sadd.s32 $0x88, s3;
	s6 =	simm.s32 @!p1 $0x1082;
	[sflag:s4] =	ssyncset.s32 $0xFFFFF086  }
0x25: {  	[simem:s6], [sflag:s4] =	dma.local [hbm:s3], $0xF7A  }
0x26: {  	[smem:$0x3F96] =	sst s1;
	(tag) =	ssettag s2;
	_ =	strace s9  }
0x27: {  	s1 =	sld [smem:$0x3FA6]  }
0x28: {  	s2 =	sld [smem:$0x3FA7]  }
0x29: {  	s4 =	sld [smem:$0x3FA9]  }
0x2a: {  	p0 =	seq.s32 s5, $0x0;
	s5 =	sld [smem:$0x3FAA]  }
0x2b: {  	s6 =	sld [smem:$0x3FAB]  }
0x2c: {  	s7 =	sld [smem:$0x3FAC]  }
0x2d: {  	s3 =	simm.s32 $0x108;
	s8 =	sld [smem:$0x3FAD]  }
0x2e: {  	s3 =	simm.s32 @!p0 $0x1082;
	s9 =	sld [smem:$0x3FAE]  }
0x2f: {  	lr =	sadd.s32 s0, s3;
	s0 =	sld [smem:$0x3FA5]  }
0x30: {  	s3 =	sld [smem:$0x3FA8]  }
0x31: {  	[smem:$0x3FB1] =	sst s10  }
0x32: {  	s10 =	sld [smem:$0x3FAF];
	_ =	sdelay $0x3  }
0x33: {  	p0 =	seq.s32 s10, $0x1;
	s10 =	sld [smem:$0x3FB1];
	_ =	sdelay $0x3  }
0x34: {  	[smem:$0x3FB1] =	sst s10  }
0x35: {  	s10 =	sld [smem:$0x3FB0];
	_ =	sdelay $0x3  }
0x36: {  	p1 =	seq.s32 s10, $0x1;
	s10 =	sld [smem:$0x3FB1];
	_ =	sdelay $0x3  }
0x37: {  	[smem:$0x3FB1] =	sst s10  }
0x38: {  	s10 =	sld [smem:$0x3FB2]  }
0x39: {  	_ = 	snop;
	(pc) =	sbr.ind lr, $3  }
0x3a: {  	_ = 	snop  }
0x3b: {  	_ = 	snop  }
0x3c: {  	p2 =	seq.s32 s10, $0x1;
	s10 =	sld [smem:$0x3FB1]  }
0x3d: {  	_ =	shalt  }
0x3e: {  	_ =	shalt  }
0x3f: {  	_ =	shalt  }
0x40: {  	_ =	shalt  }
0x41: {  	_ =	shalt  }
0x42: {  	_ =	shalt  }
0x43: {  	_ =	shalt  }
0x44: {  	_ =	shalt  }
0x45: {  	_ =	shalt  }
0x46: {  	_ =	shalt  }
0x47: {  	_ =	shalt  }
0x48: {  	_ =	shalt  }
0x49: {  	_ =	shalt  }
0x4a: {  	_ =	shalt  }
0x4b: {  	_ =	shalt  }
0x4c: {  	_ =	shalt  }
0x4d: {  	_ =	shalt  }
0x4e: {  	_ =	shalt  }
0x4f: {  	_ =	shalt  }
0x50: {  	_ =	shalt  }
0x51: {  	_ =	shalt  }
0x52: {  	_ =	shalt  }
0x53: {  	_ =	shalt  }
0x54: {  	_ =	shalt  }
0x55: {  	_ =	shalt  }
0x56: {  	_ =	shalt  }
0x57: {  	_ =	shalt  }
0x58: {  	_ =	shalt  }
0x59: {  	_ =	shalt  }
0x5a: {  	_ =	shalt  }
0x5b: {  	_ =	shalt  }
0x5c: {  	_ =	shalt  }
0x5d: {  	_ =	shalt  }
0x5e: {  	_ =	shalt  }
0x5f: {  	_ =	shalt  }
0x60: {  	_ =	shalt  }
0x61: {  	_ =	shalt  }
0x62: {  	_ =	shalt  }
0x63: {  	_ =	shalt  }
0x64: {  	_ =	shalt  }
0x65: {  	_ =	shalt  }
0x66: {  	_ =	shalt  }
0x67: {  	_ =	shalt  }
0x68: {  	_ =	shalt  }
0x69: {  	_ =	shalt  }
0x6a: {  	_ =	shalt  }
0x6b: {  	_ =	shalt  }
0x6c: {  	_ =	shalt  }
0x6d: {  	_ =	shalt  }
0x6e: {  	_ =	shalt  }
0x6f: {  	_ =	shalt  }
0x70: {  	_ =	shalt  }
0x71: {  	_ =	shalt  }
0x72: {  	_ =	shalt  }
0x73: {  	_ =	shalt  }
0x74: {  	_ =	shalt  }
0x75: {  	_ =	shalt  }
0x76: {  	_ =	shalt  }
0x77: {  	_ =	shalt  }
0x78: {  	_ =	shalt  }
0x79: {  	_ =	shalt  }
0x7a: {  	_ =	shalt  }
0x7b: {  	_ =	shalt  }
0x7c: {  	_ =	shalt  }
0x7d: {  	_ =	shalt  }
0x7e: {  	_ =	shalt  }
0x7f: {  	_ =	shalt  }
0x80: {  	_ =	shalt  }
0x81: {  	_ =	shalt  }
0x82: {  	_ =	shalt  }
0x83: {  	_ =	shalt  }
0x84: {  	_ =	shalt  }
0x85: {  	_ =	shalt  }
0x86: {  	_ =	shalt  }
0x87: {  	_ =	shalt  }
.Lfunc_end0:
.L_simem_size_0:
called_computation.2_lowered:
.L_overlay_start_0:
0x88: {  	s2 =	sld [smem:$0x3FD9]  }
0x89: {  	s3 =	sld [smem:$0x3FFE];
	_ =	sdelay $0x1  }
0x8a: {  	s1 =	srdreg.scid  }
0x8b: {  	s0 =	sand.u32 $0x1, s1  }
0x8c: {  	s15 =	sshll.u32 s0, $0xA;
	s2 =	sadd.s32 s3, s2  }
0x8d: {  	s2 =	sadd.s32 s2, s15  }
0x8e: {  	[smem:$0x3FBD] =	sst s2  }
0x8f: {  	_ = 	snop  }
0x90: {  	s2 =	sld [smem:$0x3FD0];
	_ =	sdelay $0x2  }
0x91: {  	s16 =	simm.s32 $0xB;
	s4 =	simm.s32 $0x10  }
0x92: {  	[smem:s4], [sflag:s16] =	dma.local [hbm:s2], $0x1  }
0x93: {  	_ =	swait.eq [sflag:s16], $0x1  }
0x94: {  	[sflag:s16] =	ssyncset.done $0x0  }
0x95: {  	[sflag:s16] =	ssyncadd.s32 $0xFFFFFFFF  }
0x96: {  	s17 =	sld [smem:$0x10];
	(tm) =	ssettm $0x1  }
0x97: {  	s18 =	sld [smem:$0x3FFB];
	_ =	sdelay $0x3  }
0x98: {  	_ =	strace s18  }
0x99: {  	s2 =	sld [smem:$0x3FFC];
	_ =	sdelay $0x3  }
0x9a: {  	_ =	strace s2  }
0x9b: {  	s2 =	sld [smem:$0x3FFD];
	_ =	sdelay $0x3  }
0x9c: {  	_ =	strace s2  }
0x9d: {  	_ =	strace $0x8FFFFFFF  }
0x9e: {  	s19 =	sld [smem:$0x3FDB];
	_ =	sdelay $0x1  }
0x9f: {  	s20 =	simm.s32 $_scs_section_size  }
0xa0: {  	s5 =	simm.s32 $_size__tile_overlayer_lowered;
	s6 =	simm.s32 $_tile_overlayer_lowered  }
0xa1: {  	s7 =	simm.s32 $0x1BFF;
	s21 =	sshll.u32 s6, $0x1;
	s4 =	sadd.s32 s20, s19  }
0xa2: {  	s22 =	simm.s32 $0x0;
	s5 =	sshll.u32 s5, $0x1;
	s6 =	sadd.s32 s21, s4  }
0xa3: {  	[timem:s22], [sflag:s7] =	dma.local [hbm:s6], s5  }
0xa4: {  	_ =	swait.ge [sflag:s7], s5  }
0xa5: {  	s5 =	ssub.s32 $0x0, s5;
	[sflag:s7] =	ssyncset.done $0x0  }
0xa6: {  	[sflag:s7] =	ssyncadd.s32 s5;
	_ =	sdelay $0x1  }
0xa7: {  	s23 =	simm.s32 $0x1B8B  }
0xa8: {  	_ =	swait.ge [sflag:s23], $0x1  }
0xa9: {  	[sflag:s23] =	ssyncset.done $0x0  }
0xaa: {  	[sflag:s23] =	ssyncadd.s32 $0xFFFFFFFF  }
0xab: {  	s5 =	sld [smem:$0x0]  }
0xac: {  	s6 =	sand.u32 $0xFFFFFFFE, s1  }
0xad: {  	p0 =	sne.s32 s1, s6  }
0xae: {  	s6 =	sshll.u32 @p0 s6, $0xE  }
0xaf: {  	s6 =	sadd.s32 @p0 $0x11B8D, s6;
	s7 =	sshll.u32 @p0 s5, $0x11  }
0xb0: {  	s6 =	sor.u32 @p0 s7, s6  }
0xb1: {  	[sflag:s6] =	ssyncadd.remote.s32 @p0 $0x1;
	_ =	sdelay $0x1  }
0xb2: {  	s6 =	simm.s32 @p0 $0x1B8D  }
0xb3: {  	_ =	swait.eq @p0 [sflag:s6], $0x1  }
0xb4: {  	[sflag:s6] =	ssyncadd.s32 @p0 $0xFFFFFFFF  }
0xb5: {  	s7 =	sshll.u32 @!p0 s1, $0xE  }
0xb6: {  	s7 =	sor.u32 @!p0 $0x4000, s7;
	s6 =	simm.s32 @!p0 $0x1B8D  }
0xb7: {  	s5 =	sshll.u32 @!p0 s5, $0x11;
	s7 =	sadd.s32 @!p0 $0x11B8D, s7;
	_ =	swait.eq @!p0 [sflag:s6], $0x1  }
0xb8: {  	s5 =	sor.u32 @!p0 s5, s7;
	[sflag:s6] =	ssyncadd.s32 @!p0 $0xFFFFFFFF  }
0xb9: {  	s25 =	simm.s32 $0x1B8E;
	s24 =	sld [smem:$0x3FFE];
	[sflag:s5] =	ssyncadd.remote.s32 @!p0 $0x1  }
0xba: {  	s26 =	simm.s32 $execute0_lowered;
	[smem:$0x3FD2] =	sst s25  }
0xbb: {  	s6 =	sshll.u32 s26, $0x1;
	_ =	strace $0x8000004F;
	[dreg:$0x1] =	wrdreg $0xFFFFFFFF  }
0xbc: {  	s28 =	simm.s32 $_size_execute0_lowered;
	s4 =	sadd.s32 s4, s6;
	[dreg:$0x0] =	wrdreg $0x0  }
0xbd: {  	s6 =	sshll.u32 s28, $0x1;
	[dreg:$0x2] =	wrdreg s4  }
0xbe: {  	[dreg:$0x3] =	wrdreg s6  }
0xbf: {  	[dreg:$0x4] =	wrdreg $0xC0  }
0xc0: {  	_ =	task [dreg:s22], $0x5FFFF  }
0xc1: {  	[dreg:$0x1] =	wrdreg $0xFFFFFFFF  }
0xc2: {  	[dreg:$0x0] =	wrdreg $0x60  }
0xc3: {  	[dreg:$0x2] =	wrdreg s24  }
0xc4: {  	[dreg:$0x3] =	wrdreg s17  }
0xc5: {  	[dreg:$0x4] =	wrdreg $0x9  }
0xc6: {  	_ =	task.clear_ibuf [dreg:s22], $0x5FFFF;
	_ =	strace $0x9000004F  }
0xc7: {  	s29 =	simm.s32 $0x9;
	_ =	strace $0x80000051  }
0xc8: {  	_ =	swait.ge [sflag:s29], $0x1  }
0xc9: {  	[sflag:s29] =	ssyncadd.s32 $0xFFFFFFFF  }
0xca: {  	_ =	strace $0x90000051  }
0xcb: {  	_ =	sfence  }
0xcc: {  	s30 =	sld [smem:$0x0];
	_ =	sdelay $0x2  }
0xcd: {  	s31 =	sshll.u32 s1, $0xD;
	s1 =	sshrl.u32 s1, $0x2  }
0xce: {  	s4 =	sand.u32 $0x4000, s31;
	s1 =	sadd.s32 s1, s30  }
0xcf: {  	s0 =	sor.u32 s4, s0;
	s1 =	sshll.u32 s1, $0x11  }
0xd0: {  	s0 =	sor.u32 s1, s0  }
0xd1: {  	s0 =	sadd.s32 $0x8F2B, s0  }
0xd2: {  	[sflag:s0] =	ssyncadd.remote.s32 $0x1  }
0xd3: {  	_ =	sfence.sel $0xFFFF  }
0xd4: {  	[dreg:$0x0] =	wrdreg $0xFFFFFFFF;
	(pc) =	sbr.abs _section_cstart, $3  }
0xd5: {  	[dreg:$0x1] =	wrdreg $0xFFFFFFFF  }
0xd6: {  	_ =	task.clear_ibuf [dreg:s22], $0x2FFFF;
	_ =	strace $0x9FFFFFFF  }
0xd7: {  	(tm) =	ssettm $0x7FFFFFFF  }
tec
execute0_lowered:
.L_overlay_start_1:
0x0: {  	(tag) =	ssettag $0x1  }
0x1: {  	s1 =	srdreg.scid;
	s6 =	rddreg [dreg:$0x0]  }
0x2: {  	s0 =	stileid.u32;
	s4 =	rddreg [dreg:$0x1];
	s17 =	simm.s32 $0x880  }
0x3: {  	s18 =	simm.s32 $0x1080;
	s19 =	simm.s32 $0x1880;
	s20 =	simm.s32 $0x2080  }
0x4: {  	s22 =	simm.s32 $0x2880;
	s23 =	simm.s32 $0x3080;
	s7 =	simm.s32 $0x3880  }
0x5: {  	s24 =	simm.s32 $0x4080;
	s8 =	simm.s32 $0x4880;
	s1 =	sand.u32 $0x1, s1  }
0x6: {  	s25 =	simm.s32 $0x5080;
	s2 =	sshll.u32 s0, $0x7;
	s3 =	sshll.u32 s1, $0x6  }
0x7: {  	s26 =	simm.s32 $0x5880;
	s3 =	sor.u32 s3, s2;
	s2 =	simm.s32 $0x0  }
0x8: {  	s9 =	simm.s32 $0x80;
	s11 =	simm.s32 $0x6880;
	[smem:$0x7FF] =	sst s2  }
0x9: {  	s12 =	simm.s32 $0x7080;
	_ =	strace $0x80000050;
	[dreg:$0x5] =	wrdreg s17  }
0xa: {  	s13 =	simm.s32 $0x7880;
	s14 =	simm.s32 $0x8080;
	[dreg:$0x6] =	wrdreg s18  }
0xb: {  	s15 =	simm.s32 $0x8880;
	s16 =	simm.s32 $0x9080;
	[dreg:$0x7] =	wrdreg s19  }
0xc: {  	s28 =	simm.s32 $0xE880;
	s29 =	simm.s32 $0xF080;
	[dreg:$0x8] =	wrdreg s20  }
0xd: {  	s30 =	simm.s32 $0xF880;
	s1 =	ssub.s32 $0x2, s1;
	[dreg:$0x9] =	wrdreg s22  }
0xe: {  	s31 =	simm.s32 $0x1;
	s21 =	sshrl.u32 s1, $0x1;
	[dreg:$0xa] =	wrdreg s23  }
0xf: {  	s5 =	sshrl.u32 s3, $0x3;
	s3 =	sshll.u32 s3, $0x7;
	[dreg:$0xb] =	wrdreg s7  }
0x10: {  	s1 =	ssub.s32 s1, s21;
	s21 =	simm.s32 $0xB880;
	[dreg:$0xc] =	wrdreg s24  }
0x11: {  	s5 =	sadd.s32 s5, s6;
	s3 =	sadd.s32 s4, s3;
	[dreg:$0xd] =	wrdreg s8  }
0x12: {  	s4 =	sadd.s32 $0xE1500, s6;
	s7 =	smax.u32 s1, $0x1;
	[dreg:$0xe] =	wrdreg s25  }
0x13: {  	s8 =	simm.s32 $0x3;
	[dreg:$0xf] =	wrdreg s26;
	s17 =	simm.s32 $0x9880  }
0x14: {  	s18 =	simm.s32 $0xA080;
	s19 =	simm.s32 $0xA880;
	s20 =	simm.s32 $0xB080  }
0x15: {  	s22 =	simm.s32 $0xC080;
	s23 =	simm.s32 $0xC880;
	s24 =	simm.s32 $0xD080  }
0x16: {  	v2 =	vlaneseq.u32;
	s25 =	simm.s32 $0xD880;
	s26 =	simm.s32 $0xE080;
	s1 =	simm.s32 $0x2  }
0x17: {  	vm0 =	vmmov $0xffff;
	v1 =	vshrl.u32 v2, $0x3;
	s5 =	sadd.s32 $0x20800, s5;
	[dreg:$0x4] =	wrdreg s3;
	s3 =	sadd.s32 $0xE1400, s6  }
0x18: {  	v0 =	vand.u32 $0x7, v2;
	v2 =	vor.u32 $0x8, v2;
	v1 =	vmul.u32 $0x8, v1;
	[dreg:$0x3] =	wrdreg s5;
	s5 =	sadd.s32 $0xE1600, s6;
	s6 =	sadd.s32 $0xE1700, s6  }
.LBB2_1:
0x19: {  	s0 =	rddreg [dreg:$0x3]  }
0x1a: {  	[tilespmem:s2], [sflag:$0x3] =	stream.linear.gather [hbm4b:s0+s2], $0x40, $0x38;
	[tilespmem:$0x10080] =	vst v63  }
0x1b: {  	_ =	swait.ge [sflag:s8], $0x40  }
0x1c: {  	[sflag:s8] =	ssyncset.done $0x0  }
0x1d: {  	[sflag:s8] =	ssyncadd.s32 $0xFFFFFFC0  }
0x1e: {  	v3 =	vld [tilespmem:$0x0];
	_ =	sdelay $0x4  }
0x1f: {  	v4 =	vshll.u32 v3, $0x3  }
0x20: {  	v3 =	vand.u32 $0x7, v3;
	v4 =	vand.u32 $0xFFFFFFC0, v4  }
0x21: {  	v3 =	vor.u32 v3, v4  }
0x22: {  	v4 =	vperm.xlane v3, v0;
	_ =	sdelay $0x1  }
0x23: {  	v4 =	vadd.s32 v1, v4;
	_ =	sdelay $0x4  }
0x24: {  	[tilespmem:s9], [sflag:$0x1] =	stream.indirect_vreg.gather [hbm4b:s3+s2], $0x80, v4, vm0, $0xb8;
	[tilespmem:$0x10080] =	vst v63  }
0x25: {  	s0 =	rddreg [dreg:$0x5];
	v3 =	vperm.xlane v3, v2  }
0x26: {  	[tilespmem:s0], [sflag:$0x1] =	stream.indirect_vreg.gather [hbm4b:s4+s2], $0x80, v4, vm0, $0xb8;
	[tilespmem:$0x10080] =	vst v63  }
0x27: {  	s10 =	rddreg [dreg:$0x6];
	v3 =	vadd.s32 v1, v3  }
0x28: {  	[tilespmem:s10], [sflag:$0x1] =	stream.indirect_vreg.gather [hbm4b:s5+s2], $0x80, v4, vm0, $0xb8;
	[tilespmem:$0x10080] =	vst v63  }
0x29: {  	s0 =	rddreg [dreg:$0x7]  }
0x2a: {  	[tilespmem:s0], [sflag:$0x1] =	stream.indirect_vreg.gather [hbm4b:s6+s2], $0x80, v4, vm0, $0xb8;
	[tilespmem:$0x10080] =	vst v63  }
0x2b: {  	s10 =	rddreg [dreg:$0x8]  }
0x2c: {  	[tilespmem:s10], [sflag:$0x1] =	stream.indirect_vreg.gather [hbm4b:s3+s2], $0x80, v3, vm0, $0xb8;
	[tilespmem:$0x10080] =	vst v63  }
0x2d: {  	s0 =	rddreg [dreg:$0x9]  }
0x2e: {  	[tilespmem:s0], [sflag:$0x1] =	stream.indirect_vreg.gather [hbm4b:s4+s2], $0x80, v3, vm0, $0xb8;
	[tilespmem:$0x10080] =	vst v63  }
0x2f: {  	s10 =	rddreg [dreg:$0xa]  }
0x30: {  	[tilespmem:s10], [sflag:$0x1] =	stream.indirect_vreg.gather [hbm4b:s5+s2], $0x80, v3, vm0, $0xb8;
	[tilespmem:$0x10080] =	vst v63  }
0x31: {  	s0 =	rddreg [dreg:$0xb]  }
0x32: {  	[tilespmem:s0], [sflag:$0x1] =	stream.indirect_vreg.gather [hbm4b:s6+s2], $0x80, v3, vm0, $0xb8;
	[tilespmem:$0x10080] =	vst v63  }
0x33: {  	v3 =	vld [tilespmem:$0x10];
	_ =	sdelay $0x4  }
0x34: {  	v61 =	vshll.u32 v3, $0x3  }
0x35: {  	v3 =	vand.u32 $0x7, v3;
	v4 =	vand.u32 $0xFFFFFFC0, v61  }
0x36: {  	v3 =	vor.u32 v3, v4  }
0x37: {  	v4 =	vperm.xlane v3, v0;
	_ =	sdelay $0x1  }
0x38: {  	v4 =	vadd.s32 v1, v4;
	_ =	sdelay $0x3  }
0x39: {  	s0 =	rddreg [dreg:$0xc]  }
0x3a: {  	[tilespmem:s0], [sflag:$0x1] =	stream.indirect_vreg.gather [hbm4b:s3+s2], $0x80, v4, vm0, $0xb8;
	[tilespmem:$0x10080] =	vst v63  }
0x3b: {  	s10 =	rddreg [dreg:$0xd];
	v3 =	vperm.xlane v3, v2  }
0x3c: {  	[tilespmem:s10], [sflag:$0x1] =	stream.indirect_vreg.gather [hbm4b:s4+s2], $0x80, v4, vm0, $0xb8;
	[tilespmem:$0x10080] =	vst v63  }
0x3d: {  	v3 =	vadd.s32 v1, v3;
	s0 =	rddreg [dreg:$0xe]  }
0x3e: {  	[tilespmem:s0], [sflag:$0x1] =	stream.indirect_vreg.gather [hbm4b:s5+s2], $0x80, v4, vm0, $0xb8;
	[tilespmem:$0x10080] =	vst v63  }
0x3f: {  	s10 =	rddreg [dreg:$0xf]  }
0x40: {  	[tilespmem:s10], [sflag:$0x1] =	stream.indirect_vreg.gather [hbm4b:s6+s2], $0x80, v4, vm0, $0xb8;
	[tilespmem:$0x10080] =	vst v63  }
0x41: {  	s10 =	simm.s32 $0x6080  }
0x42: {  	[tilespmem:s10], [sflag:$0x1] =	stream.indirect_vreg.gather [hbm4b:s3+s2], $0x80, v3, vm0, $0xb8;
	[tilespmem:$0x10080] =	vst v63  }
0x43: {  	_ = 	snop  }
0x44: {  	[tilespmem:s11], [sflag:$0x1] =	stream.indirect_vreg.gather [hbm4b:s4+s2], $0x80, v3, vm0, $0xb8;
	[tilespmem:$0x10080] =	vst v63  }
0x45: {  	_ = 	snop  }
0x46: {  	[tilespmem:s12], [sflag:$0x1] =	stream.indirect_vreg.gather [hbm4b:s5+s2], $0x80, v3, vm0, $0xb8;
	[tilespmem:$0x10080] =	vst v63  }
0x47: {  	_ = 	snop  }
0x48: {  	[tilespmem:s13], [sflag:$0x1] =	stream.indirect_vreg.gather [hbm4b:s6+s2], $0x80, v3, vm0, $0xb8;
	[tilespmem:$0x10080] =	vst v63  }
0x49: {  	v3 =	vld [tilespmem:$0x20];
	_ =	sdelay $0x4  }
0x4a: {  	v62 =	vshll.u32 v3, $0x3  }
0x4b: {  	v3 =	vand.u32 $0x7, v3;
	v4 =	vand.u32 $0xFFFFFFC0, v62  }
0x4c: {  	v3 =	vor.u32 v3, v4  }
0x4d: {  	v4 =	vperm.xlane v3, v0;
	_ =	sdelay $0x1  }
0x4e: {  	v4 =	vadd.s32 v1, v4;
	_ =	sdelay $0x4  }
0x4f: {  	[tilespmem:s14], [sflag:$0x1] =	stream.indirect_vreg.gather [hbm4b:s3+s2], $0x80, v4, vm0, $0xb8;
	[tilespmem:$0x10080] =	vst v63  }
0x50: {  	v3 =	vperm.xlane v3, v2  }
0x51: {  	[tilespmem:s15], [sflag:$0x1] =	stream.indirect_vreg.gather [hbm4b:s4+s2], $0x80, v4, vm0, $0xb8;
	[tilespmem:$0x10080] =	vst v63  }
0x52: {  	v3 =	vadd.s32 v1, v3  }
0x53: {  	[tilespmem:s16], [sflag:$0x1] =	stream.indirect_vreg.gather [hbm4b:s5+s2], $0x80, v4, vm0, $0xb8;
	[tilespmem:$0x10080] =	vst v63  }
0x54: {  	_ = 	snop  }
0x55: {  	[tilespmem:s17], [sflag:$0x1] =	stream.indirect_vreg.gather [hbm4b:s6+s2], $0x80, v4, vm0, $0xb8;
	[tilespmem:$0x10080] =	vst v63  }
0x56: {  	_ = 	snop  }
0x57: {  	[tilespmem:s18], [sflag:$0x1] =	stream.indirect_vreg.gather [hbm4b:s3+s2], $0x80, v3, vm0, $0xb8;
	[tilespmem:$0x10080] =	vst v63  }
0x58: {  	_ = 	snop  }
0x59: {  	[tilespmem:s19], [sflag:$0x1] =	stream.indirect_vreg.gather [hbm4b:s4+s2], $0x80, v3, vm0, $0xb8;
	[tilespmem:$0x10080] =	vst v63  }
0x5a: {  	_ = 	snop  }
0x5b: {  	[tilespmem:s20], [sflag:$0x1] =	stream.indirect_vreg.gather [hbm4b:s5+s2], $0x80, v3, vm0, $0xb8;
	[tilespmem:$0x10080] =	vst v63  }
0x5c: {  	_ = 	snop  }
0x5d: {  	[tilespmem:s21], [sflag:$0x1] =	stream.indirect_vreg.gather [hbm4b:s6+s2], $0x80, v3, vm0, $0xb8;
	[tilespmem:$0x10080] =	vst v63  }
0x5e: {  	v3 =	vld [tilespmem:$0x30];
	_ =	sdelay $0x4  }
0x5f: {  	v63 =	vshll.u32 v3, $0x3  }
0x60: {  	v3 =	vand.u32 $0x7, v3;
	v4 =	vand.u32 $0xFFFFFFC0, v63  }
0x61: {  	v3 =	vor.u32 v3, v4  }
0x62: {  	v4 =	vperm.xlane v3, v0;
	_ =	sdelay $0x1  }
0x63: {  	v4 =	vadd.s32 v1, v4;
	_ =	sdelay $0x4  }
0x64: {  	[tilespmem:s22], [sflag:$0x1] =	stream.indirect_vreg.gather [hbm4b:s3+s2], $0x80, v4, vm0, $0xb8;
	[tilespmem:$0x10080] =	vst v63  }
0x65: {  	v3 =	vperm.xlane v3, v2  }
0x66: {  	[tilespmem:s23], [sflag:$0x1] =	stream.indirect_vreg.gather [hbm4b:s4+s2], $0x80, v4, vm0, $0xb8;
	[tilespmem:$0x10080] =	vst v63  }
0x67: {  	v3 =	vadd.s32 v1, v3  }
0x68: {  	[tilespmem:s24], [sflag:$0x1] =	stream.indirect_vreg.gather [hbm4b:s5+s2], $0x80, v4, vm0, $0xb8;
	[tilespmem:$0x10080] =	vst v63  }
0x69: {  	_ = 	snop  }
0x6a: {  	[tilespmem:s25], [sflag:$0x1] =	stream.indirect_vreg.gather [hbm4b:s6+s2], $0x80, v4, vm0, $0xb8;
	[tilespmem:$0x10080] =	vst v63  }
0x6b: {  	_ = 	snop  }
0x6c: {  	[tilespmem:s26], [sflag:$0x1] =	stream.indirect_vreg.gather [hbm4b:s3+s2], $0x80, v3, vm0, $0xb8;
	[tilespmem:$0x10080] =	vst v63  }
0x6d: {  	_ = 	snop  }
0x6e: {  	[tilespmem:s28], [sflag:$0x1] =	stream.indirect_vreg.gather [hbm4b:s4+s2], $0x80, v3, vm0, $0xb8;
	[tilespmem:$0x10080] =	vst v63  }
0x6f: {  	_ = 	snop  }
0x70: {  	[tilespmem:s29], [sflag:$0x1] =	stream.indirect_vreg.gather [hbm4b:s5+s2], $0x80, v3, vm0, $0xb8;
	[tilespmem:$0x10080] =	vst v63  }
0x71: {  	_ = 	snop  }
0x72: {  	[tilespmem:s30], [sflag:$0x1] =	stream.indirect_vreg.gather [hbm4b:s6+s2], $0x80, v3, vm0, $0xb8;
	[tilespmem:$0x10080] =	vst v63  }
0x73: {  	_ =	swait.ge [sflag:s31], $0x10000  }
0x74: {  	p0 =	sne.s32 s7, $0x1;
	[sflag:s31] =	ssyncset.done $0x0  }
.Ltmp0:
0x75: {  	s10 =	rddreg [dreg:$0x4];
	[sflag:s31] =	ssyncadd.s32 $0xFFFF0000;
	(pc) =	sbr.rel @p0 .LBB2_1-.Ltmp0, $4  }
0x76: {  	[hbm4b:s10+s2] =	stream.linear.scatter [tilespmem:s9], [sflag:$0x2], $0x10000, $0x38;
	[tilespmem:$0x10080] =	vst v63  }
0x77: {  	_ =	swait.ge [sflag:s1], $0x10000  }
0x78: {  	[sflag:s1] =	ssyncset.done $0x0  }
0x79: {  	s7 =	sadd.s32 $0xFFFFFFFF, s7;
	[sflag:s1] =	ssyncadd.s32 $0xFFFF0000  }
0x7a: {  	_ =	sfence.sel $0x180000  }
0x7b: {  	[bflag:$0x0] =	sbarrier.arrive $0xFFFF  }
0x7c: {  	_ =	strace $0x90000050  }
0x7d: {  	s0 =	stileid.u32;
	[bflag:$0x2] =	sbarrier.arrive $0xFFFF  }
0x7e: {  	p0 =	sne.s32 s0, $0x0;
	s0 =	rddreg [dreg:$0x2]  }
0x7f: {  	s0 =	sadd.s32 @!p0 $0x100000, s0  }
0x80: {  	[sflag:s0] =	ssyncadd.tile.s32 @!p0 $0x1;
	_ =	shalt  }
.Lfunc_end2:
_tile_overlayer_lowered:
.L_overlay_start_2:
0x81: {  	(tag) =	ssettag $0x2  }
0x82: {  	s0 =	rddreg [dreg:$0x0];
	s2 =	stileid.u32  }
0x83: {  	s1 =	rddreg [dreg:$0x1];
	p0 =	sne.s32 s2, $0x0  }
0x84: {  	s3 =	rddreg [dreg:$0x2];
	[bflag:$0x3] =	sbarrier.arrive $0xFFFF;
	s2 =	simm.s32 @!p0 $0x1C03  }
0x85: {  	[timem:s3], [sflag:s2] =	dma.local @!p0 [hbm:s0], s1  }
0x86: {  	s0 =	simm.s32 @!p0 $0x3  }
0x87: {  	_ =	swait.ge @!p0 [sflag:s0], s1  }
0x88: {  	s1 =	ssub.s32 @!p0 $0x0, s1;
	[sflag:s0] =	ssyncset.done @!p0 $0x0  }
0x89: {  	[sflag:s0] =	ssyncadd.s32 @!p0 s1  }
0x8a: {  	[bflag:$0x3] =	sbarrier.arrive $0xFFFF  }
0x8b: {  	_ =	shalt  }

// kernel: kernel.15.cloned.1.call-start
scs
__scs_entry_jumppad:
0x0: {  	(pc) =	sbr.rel $0x88, $3  }
0x1: {  	(tag) =	ssettag $0x0;
	lr =	simm.s32 $0x1  }
0x2: {  	[smem:$0x3F96] =	sst lr;
	_ =	strace $0xD0000000  }
0x3: {  	_ = 	snop  }
0x4: {  	_ = 	snop  }
0x5: {  	_ = 	snop  }
0x6: {  	_ = 	snop  }
0x7: {  	_ = 	snop  }
__scs_overlays_trampoline_lowered:
0x8: {  	[smem:$0x3FA5] =	sst s0  }
0x9: {  	[smem:$0x3FA6] =	sst s1  }
0xa: {  	[smem:$0x3FA7] =	sst s2  }
0xb: {  	[smem:$0x3FA8] =	sst s3  }
0xc: {  	[smem:$0x3FA9] =	sst s4  }
0xd: {  	[smem:$0x3FAA] =	sst s5  }
0xe: {  	[smem:$0x3FAB] =	sst s6  }
0xf: {  	[smem:$0x3FAC] =	sst s7  }
0x10: {  	[smem:$0x3FAD] =	sst s8  }
0x11: {  	[smem:$0x3FAE] =	sst s9;
	s0 =	simm.s32 @!p0 $0x0  }
0x12: {  	s1 =	sld [smem:$0x3F94];
	s0 =	simm.s32 @p0 $0x1  }
0x13: {  	[smem:$0x3FAF] =	sst s0;
	s0 =	simm.s32 @!p1 $0x0  }
0x14: {  	s2 =	sld [smem:$0x3F93];
	s0 =	simm.s32 @p1 $0x1  }
0x15: {  	[smem:$0x3FB0] =	sst s0;
	s0 =	simm.s32 @!p2 $0x0  }
0x16: {  	s3 =	sld [smem:$0x3FDB];
	s0 =	simm.s32 @p2 $0x1  }
0x17: {  	s4 =	simm.s32 $0x1BF5;
	[smem:$0x3FB2] =	sst s0  }
0x18: {  	s0 =	sld [smem:$0x3F95];
	_ =	swait.ge [sflag:s4], $0x0  }
0x19: {  	s7 =	sld [smem:$0x3F96]  }
0x1a: {  	s8 =	sadd.s32 $0xFFFFE003, lr  }
0x1b: {  	s9 =	sadd.s32 $0xFFFFFEF7, lr;
	s5 =	simm.s32 $0xFFFFFFFF;
	p2 =	slt.u32 s8, $0xFFFFF086  }
0x1c: {  	p1 =	slt.u32 s9, $0xF7A;
	s5 =	simm.s32 @!p2 $0x0  }
0x1d: {  	s5 =	simm.s32 @p1 $0x1;
	p0 =	seq.s32 s7, s2  }
0x1e: {  	s7 =	smul.u32 @!p0 $0xF7A, s2;
	p2 =	seq.s32 @!p0 s5, $0x0  }
0x1f: {  	s9 =	smul.u32 $0xF7A, s1;
	s8 =	simm.s32 @!p0 $0x1BF5;
	p2 =	por !p2, p0  }
0x20: {  	[sflag:s8] =	ssyncset.s32 @!p0 $0xFFFFF086;
	s6 =	sadd.s32 @!p0 s3, s7;
	s7 =	simm.s32 @!p0 $0x108  }
0x21: {  	s3 =	sadd.s32 s3, s9;
	s6 =	sadd.s32 @!p0 $0x88, s6;
	s7 =	simm.s32 @p2 $0x1082  }
0x22: {  	[simem:s7], [sflag:s8] =	dma.local @!p0 [hbm:s6], $0xF7A  }
0x23: {  	s9 =	sor.u32 $0xD0000000, s2;
	s6 =	simm.s32 $0x108;
	_ =	swait.ge @!p0 [sflag:s8], $0x0  }
0x24: {  	s3 =	sadd.s32 $0x88, s3;
	s6 =	simm.s32 @!p1 $0x1082;
	[sflag:s4] =	ssyncset.s32 $0xFFFFF086  }
0x25: {  	[simem:s6], [sflag:s4] =	dma.local [hbm:s3], $0xF7A  }
0x26: {  	[smem:$0x3F96] =	sst s1;
	(tag) =	ssettag s2;
	_ =	strace s9  }
0x27: {  	s1 =	sld [smem:$0x3FA6]  }
0x28: {  	s2 =	sld [smem:$0x3FA7]  }
0x29: {  	s4 =	sld [smem:$0x3FA9]  }
0x2a: {  	p0 =	seq.s32 s5, $0x0;
	s5 =	sld [smem:$0x3FAA]  }
0x2b: {  	s6 =	sld [smem:$0x3FAB]  }
0x2c: {  	s7 =	sld [smem:$0x3FAC]  }
0x2d: {  	s3 =	simm.s32 $0x108;
	s8 =	sld [smem:$0x3FAD]  }
0x2e: {  	s3 =	simm.s32 @!p0 $0x1082;
	s9 =	sld [smem:$0x3FAE]  }
0x2f: {  	lr =	sadd.s32 s0, s3;
	s0 =	sld [smem:$0x3FA5]  }
0x30: {  	s3 =	sld [smem:$0x3FA8]  }
0x31: {  	[smem:$0x3FB1] =	sst s10  }
0x32: {  	s10 =	sld [smem:$0x3FAF];
	_ =	sdelay $0x3  }
0x33: {  	p0 =	seq.s32 s10, $0x1;
	s10 =	sld [smem:$0x3FB1];
	_ =	sdelay $0x3  }
0x34: {  	[smem:$0x3FB1] =	sst s10  }
0x35: {  	s10 =	sld [smem:$0x3FB0];
	_ =	sdelay $0x3  }
0x36: {  	p1 =	seq.s32 s10, $0x1;
	s10 =	sld [smem:$0x3FB1];
	_ =	sdelay $0x3  }
0x37: {  	[smem:$0x3FB1] =	sst s10  }
0x38: {  	s10 =	sld [smem:$0x3FB2]  }
0x39: {  	_ = 	snop;
	(pc) =	sbr.ind lr, $3  }
0x3a: {  	_ = 	snop  }
0x3b: {  	_ = 	snop  }
0x3c: {  	p2 =	seq.s32 s10, $0x1;
	s10 =	sld [smem:$0x3FB1]  }
0x3d: {  	_ =	shalt  }
0x3e: {  	_ =	shalt  }
0x3f: {  	_ =	shalt  }
0x40: {  	_ =	shalt  }
0x41: {  	_ =	shalt  }
0x42: {  	_ =	shalt  }
0x43: {  	_ =	shalt  }
0x44: {  	_ =	shalt  }
0x45: {  	_ =	shalt  }
0x46: {  	_ =	shalt  }
0x47: {  	_ =	shalt  }
0x48: {  	_ =	shalt  }
0x49: {  	_ =	shalt  }
0x4a: {  	_ =	shalt  }
0x4b: {  	_ =	shalt  }
0x4c: {  	_ =	shalt  }
0x4d: {  	_ =	shalt  }
0x4e: {  	_ =	shalt  }
0x4f: {  	_ =	shalt  }
0x50: {  	_ =	shalt  }
0x51: {  	_ =	shalt  }
0x52: {  	_ =	shalt  }
0x53: {  	_ =	shalt  }
0x54: {  	_ =	shalt  }
0x55: {  	_ =	shalt  }
0x56: {  	_ =	shalt  }
0x57: {  	_ =	shalt  }
0x58: {  	_ =	shalt  }
0x59: {  	_ =	shalt  }
0x5a: {  	_ =	shalt  }
0x5b: {  	_ =	shalt  }
0x5c: {  	_ =	shalt  }
0x5d: {  	_ =	shalt  }
0x5e: {  	_ =	shalt  }
0x5f: {  	_ =	shalt  }
0x60: {  	_ =	shalt  }
0x61: {  	_ =	shalt  }
0x62: {  	_ =	shalt  }
0x63: {  	_ =	shalt  }
0x64: {  	_ =	shalt  }
0x65: {  	_ =	shalt  }
0x66: {  	_ =	shalt  }
0x67: {  	_ =	shalt  }
0x68: {  	_ =	shalt  }
0x69: {  	_ =	shalt  }
0x6a: {  	_ =	shalt  }
0x6b: {  	_ =	shalt  }
0x6c: {  	_ =	shalt  }
0x6d: {  	_ =	shalt  }
0x6e: {  	_ =	shalt  }
0x6f: {  	_ =	shalt  }
0x70: {  	_ =	shalt  }
0x71: {  	_ =	shalt  }
0x72: {  	_ =	shalt  }
0x73: {  	_ =	shalt  }
0x74: {  	_ =	shalt  }
0x75: {  	_ =	shalt  }
0x76: {  	_ =	shalt  }
0x77: {  	_ =	shalt  }
0x78: {  	_ =	shalt  }
0x79: {  	_ =	shalt  }
0x7a: {  	_ =	shalt  }
0x7b: {  	_ =	shalt  }
0x7c: {  	_ =	shalt  }
0x7d: {  	_ =	shalt  }
0x7e: {  	_ =	shalt  }
0x7f: {  	_ =	shalt  }
0x80: {  	_ =	shalt  }
0x81: {  	_ =	shalt  }
0x82: {  	_ =	shalt  }
0x83: {  	_ =	shalt  }
0x84: {  	_ =	shalt  }
0x85: {  	_ =	shalt  }
0x86: {  	_ =	shalt  }
0x87: {  	_ =	shalt  }
.Lfunc_end0:
.L_simem_size_0:
called_computation.3_lowered:
.L_overlay_start_0:
0x88: {  	s2 =	sld [smem:$0x3FD9]  }
0x89: {  	s3 =	sld [smem:$0x3FFE];
	_ =	sdelay $0x1  }
0x8a: {  	s1 =	srdreg.scid  }
0x8b: {  	s0 =	sand.u32 $0x1, s1  }
0x8c: {  	s16 =	sshll.u32 s0, $0xA;
	s2 =	sadd.s32 s3, s2  }
0x8d: {  	s2 =	sadd.s32 s2, s16  }
0x8e: {  	[smem:$0x3FBD] =	sst s2  }
0x8f: {  	_ = 	snop  }
0x90: {  	(tm) =	ssettm $0x1  }
0x91: {  	s17 =	sld [smem:$0x3FFB];
	_ =	sdelay $0x3  }
0x92: {  	_ =	strace s17  }
0x93: {  	s2 =	sld [smem:$0x3FFC];
	_ =	sdelay $0x3  }
0x94: {  	_ =	strace s2  }
0x95: {  	s2 =	sld [smem:$0x3FFD];
	_ =	sdelay $0x3  }
0x96: {  	_ =	strace s2  }
0x97: {  	_ =	strace $0x8FFFFFFF  }
0x98: {  	s18 =	sld [smem:$0x3FDB];
	_ =	sdelay $0x1  }
0x99: {  	s19 =	simm.s32 $_scs_section_size  }
0x9a: {  	s4 =	simm.s32 $_size__tile_overlayer_lowered;
	s5 =	simm.s32 $_tile_overlayer_lowered  }
0x9b: {  	s22 =	simm.s32 $0x1BFF;
	s21 =	sshll.u32 s5, $0x1;
	s2 =	sadd.s32 s19, s18  }
0x9c: {  	s6 =	simm.s32 $0x0;
	s20 =	sshll.u32 s4, $0x1;
	s4 =	sadd.s32 s21, s2  }
0x9d: {  	[timem:s6], [sflag:s22] =	dma.local [hbm:s4], s20  }
0x9e: {  	_ =	swait.ge [sflag:s22], s20  }
0x9f: {  	s3 =	ssub.s32 $0x0, s20;
	[sflag:s22] =	ssyncset.done $0x0  }
0xa0: {  	[sflag:s22] =	ssyncadd.s32 s3;
	_ =	sdelay $0x1  }
0xa1: {  	s23 =	simm.s32 $0x1B8B  }
0xa2: {  	_ =	swait.ge [sflag:s23], $0x1  }
0xa3: {  	[sflag:s23] =	ssyncset.done $0x0  }
0xa4: {  	s25 =	simm.s32 $0x1B8E;
	s24 =	sld [smem:$0x3FFE];
	[sflag:s23] =	ssyncadd.s32 $0xFFFFFFFF  }
0xa5: {  	s26 =	simm.s32 $execute0_lowered;
	[smem:$0x3FD2] =	sst s25  }
0xa6: {  	s4 =	sshll.u32 s26, $0x1;
	_ =	strace $0x8000004C;
	[dreg:$0x1] =	wrdreg $0xFFFFFFFF  }
0xa7: {  	s28 =	simm.s32 $_size_execute0_lowered;
	s2 =	sadd.s32 s2, s4;
	[dreg:$0x0] =	wrdreg $0x0  }
0xa8: {  	s4 =	sshll.u32 s28, $0x1;
	[dreg:$0x2] =	wrdreg s2  }
0xa9: {  	[dreg:$0x3] =	wrdreg s4  }
0xaa: {  	[dreg:$0x4] =	wrdreg $0xC0  }
0xab: {  	_ =	task [dreg:s6], $0x5FFFF  }
0xac: {  	[dreg:$0x1] =	wrdreg $0xFFFFFFFF  }
0xad: {  	[dreg:$0x0] =	wrdreg $0x60  }
0xae: {  	[dreg:$0x2] =	wrdreg s24  }
0xaf: {  	[dreg:$0x3] =	wrdreg $0xA  }
0xb0: {  	_ =	task.clear_ibuf [dreg:s6], $0x4FFFF;
	_ =	strace $0x9000004C  }
0xb1: {  	s29 =	simm.s32 $0xA;
	_ =	strace $0x8000004E  }
0xb2: {  	_ =	swait.ge [sflag:s29], $0x1  }
0xb3: {  	[sflag:s29] =	ssyncadd.s32 $0xFFFFFFFF  }
0xb4: {  	_ =	strace $0x9000004E  }
0xb5: {  	_ =	sfence  }
0xb6: {  	s30 =	sld [smem:$0x0];
	_ =	sdelay $0x2  }
0xb7: {  	s31 =	sshll.u32 s1, $0xD;
	s1 =	sshrl.u32 s1, $0x2  }
0xb8: {  	s3 =	sand.u32 $0x4000, s31;
	s1 =	sadd.s32 s1, s30  }
0xb9: {  	s0 =	sor.u32 s3, s0;
	s1 =	sshll.u32 s1, $0x11  }
0xba: {  	s0 =	sor.u32 s1, s0  }
0xbb: {  	s0 =	sadd.s32 $0x8F2B, s0  }
0xbc: {  	[sflag:s0] =	ssyncadd.remote.s32 $0x1  }
0xbd: {  	_ =	sfence.sel $0xFFFF  }
0xbe: {  	[dreg:$0x0] =	wrdreg $0xFFFFFFFF;
	(pc) =	sbr.abs _section_cstart, $3  }
0xbf: {  	[dreg:$0x1] =	wrdreg $0xFFFFFFFF  }
0xc0: {  	_ =	task.clear_ibuf [dreg:s6], $0x2FFFF;
	_ =	strace $0x9FFFFFFF  }
0xc1: {  	(tm) =	ssettm $0x7FFFFFFF  }
tec
execute0_lowered:
.L_overlay_start_1:
0x0: {  	(tag) =	ssettag $0x1  }
0x1: {  	s1 =	srdreg.scid;
	s0 =	stileid.u32  }
0x2: {  	s6 =	rddreg [dreg:$0x0];
	s18 =	simm.s32 $0x880;
	s19 =	simm.s32 $0x1080  }
0x3: {  	s20 =	simm.s32 $0x1880;
	s21 =	simm.s32 $0x2080;
	s22 =	simm.s32 $0x2880  }
0x4: {  	s23 =	simm.s32 $0x3080;
	s7 =	simm.s32 $0x3880;
	s24 =	simm.s32 $0x4080  }
0x5: {  	s8 =	simm.s32 $0x4880;
	s25 =	simm.s32 $0x5080;
	s1 =	sand.u32 $0x1, s1  }
0x6: {  	s26 =	simm.s32 $0x5880;
	s2 =	sshll.u32 s0, $0x7;
	s3 =	sshll.u32 s1, $0x6  }
0x7: {  	s9 =	simm.s32 $0x80;
	s3 =	sor.u32 s3, s2;
	s2 =	simm.s32 $0x0  }
0x8: {  	s11 =	simm.s32 $0x6880;
	s12 =	simm.s32 $0x7080;
	[smem:$0x7FF] =	sst s2  }
0x9: {  	s13 =	simm.s32 $0x7880;
	_ =	strace $0x8000004D;
	[dreg:$0x4] =	wrdreg s18  }
0xa: {  	s14 =	simm.s32 $0x8080;
	s15 =	simm.s32 $0x8880;
	[dreg:$0x5] =	wrdreg s19  }
0xb: {  	s16 =	simm.s32 $0x9080;
	s17 =	simm.s32 $0x9880;
	[dreg:$0x6] =	wrdreg s20  }
0xc: {  	s28 =	simm.s32 $0xE880;
	s29 =	simm.s32 $0xF080;
	[dreg:$0x7] =	wrdreg s21  }
0xd: {  	s30 =	simm.s32 $0xF880;
	s1 =	ssub.s32 $0x2, s1;
	[dreg:$0x8] =	wrdreg s22  }
0xe: {  	s31 =	simm.s32 $0x1;
	s5 =	sshrl.u32 s1, $0x1;
	[dreg:$0x9] =	wrdreg s23  }
0xf: {  	s4 =	sshrl.u32 s3, $0x3;
	s3 =	sshll.u32 s3, $0x7;
	[dreg:$0xa] =	wrdreg s7  }
0x10: {  	s1 =	ssub.s32 s1, s5;
	s5 =	sadd.s32 $0xE1600, s6;
	[dreg:$0xb] =	wrdreg s24  }
0x11: {  	s4 =	sadd.s32 s4, s6;
	s3 =	sadd.s32 s3, s6;
	[dreg:$0xc] =	wrdreg s8  }
0x12: {  	s7 =	smax.u32 s1, $0x1;
	s8 =	simm.s32 $0x3;
	[dreg:$0xd] =	wrdreg s25  }
0x13: {  	[dreg:$0xe] =	wrdreg s26;
	s18 =	simm.s32 $0xA080;
	s19 =	simm.s32 $0xA880  }
0x14: {  	s20 =	simm.s32 $0xB080;
	s21 =	simm.s32 $0xB880;
	s22 =	simm.s32 $0xC080  }
0x15: {  	s23 =	simm.s32 $0xC880;
	s24 =	simm.s32 $0xD080;
	s4 =	sadd.s32 $0xE1200, s4  }
0x16: {  	v2 =	vlaneseq.u32;
	s25 =	simm.s32 $0xD880;
	s3 =	sadd.s32 $0x20A00, s3;
	[dreg:$0x2] =	wrdreg s4  }
0x17: {  	vm0 =	vmmov $0xffff;
	v1 =	vshrl.u32 v2, $0x3;
	s26 =	simm.s32 $0xE080;
	s1 =	simm.s32 $0x2;
	[dreg:$0x3] =	wrdreg s3  }
0x18: {  	v0 =	vand.u32 $0x7, v2;
	v2 =	vor.u32 $0x8, v2;
	v1 =	vmul.u32 $0x8, v1;
	s3 =	sadd.s32 $0xE1400, s6;
	s4 =	sadd.s32 $0xE1500, s6;
	s6 =	sadd.s32 $0xE1700, s6  }
.LBB2_1:
0x19: {  	s0 =	rddreg [dreg:$0x2]  }
0x1a: {  	[tilespmem:s2], [sflag:$0x3] =	stream.linear.gather [hbm4b:s0+s2], $0x40, $0x38;
	[tilespmem:$0x10080] =	vst v63  }
0x1b: {  	_ =	swait.ge [sflag:s8], $0x40  }
0x1c: {  	[sflag:s8] =	ssyncset.done $0x0  }
0x1d: {  	[sflag:s8] =	ssyncadd.s32 $0xFFFFFFC0  }
0x1e: {  	v3 =	vld [tilespmem:$0x0];
	_ =	sdelay $0x4  }
0x1f: {  	v4 =	vshll.u32 v3, $0x3  }
0x20: {  	v3 =	vand.u32 $0x7, v3;
	v4 =	vand.u32 $0xFFFFFFC0, v4  }
0x21: {  	v3 =	vor.u32 v3, v4  }
0x22: {  	v4 =	vperm.xlane v3, v0;
	_ =	sdelay $0x1  }
0x23: {  	v4 =	vadd.s32 v1, v4;
	_ =	sdelay $0x4  }
0x24: {  	[tilespmem:s9], [sflag:$0x1] =	stream.indirect_vreg.gather [hbm4b:s3+s2], $0x80, v4, vm0, $0xb8;
	[tilespmem:$0x10080] =	vst v63  }
0x25: {  	s0 =	rddreg [dreg:$0x4];
	v3 =	vperm.xlane v3, v2  }
0x26: {  	[tilespmem:s0], [sflag:$0x1] =	stream.indirect_vreg.gather [hbm4b:s4+s2], $0x80, v4, vm0, $0xb8;
	[tilespmem:$0x10080] =	vst v63  }
0x27: {  	s10 =	rddreg [dreg:$0x5];
	v3 =	vadd.s32 v1, v3  }
0x28: {  	[tilespmem:s10], [sflag:$0x1] =	stream.indirect_vreg.gather [hbm4b:s5+s2], $0x80, v4, vm0, $0xb8;
	[tilespmem:$0x10080] =	vst v63  }
0x29: {  	s0 =	rddreg [dreg:$0x6]  }
0x2a: {  	[tilespmem:s0], [sflag:$0x1] =	stream.indirect_vreg.gather [hbm4b:s6+s2], $0x80, v4, vm0, $0xb8;
	[tilespmem:$0x10080] =	vst v63  }
0x2b: {  	s10 =	rddreg [dreg:$0x7]  }
0x2c: {  	[tilespmem:s10], [sflag:$0x1] =	stream.indirect_vreg.gather [hbm4b:s3+s2], $0x80, v3, vm0, $0xb8;
	[tilespmem:$0x10080] =	vst v63  }
0x2d: {  	s0 =	rddreg [dreg:$0x8]  }
0x2e: {  	[tilespmem:s0], [sflag:$0x1] =	stream.indirect_vreg.gather [hbm4b:s4+s2], $0x80, v3, vm0, $0xb8;
	[tilespmem:$0x10080] =	vst v63  }
0x2f: {  	s10 =	rddreg [dreg:$0x9]  }
0x30: {  	[tilespmem:s10], [sflag:$0x1] =	stream.indirect_vreg.gather [hbm4b:s5+s2], $0x80, v3, vm0, $0xb8;
	[tilespmem:$0x10080] =	vst v63  }
0x31: {  	s0 =	rddreg [dreg:$0xa]  }
0x32: {  	[tilespmem:s0], [sflag:$0x1] =	stream.indirect_vreg.gather [hbm4b:s6+s2], $0x80, v3, vm0, $0xb8;
	[tilespmem:$0x10080] =	vst v63  }
0x33: {  	v3 =	vld [tilespmem:$0x10];
	_ =	sdelay $0x4  }
0x34: {  	v61 =	vshll.u32 v3, $0x3  }
0x35: {  	v3 =	vand.u32 $0x7, v3;
	v4 =	vand.u32 $0xFFFFFFC0, v61  }
0x36: {  	v3 =	vor.u32 v3, v4  }
0x37: {  	v4 =	vperm.xlane v3, v0;
	_ =	sdelay $0x1  }
0x38: {  	v4 =	vadd.s32 v1, v4;
	_ =	sdelay $0x3  }
0x39: {  	s0 =	rddreg [dreg:$0xb]  }
0x3a: {  	[tilespmem:s0], [sflag:$0x1] =	stream.indirect_vreg.gather [hbm4b:s3+s2], $0x80, v4, vm0, $0xb8;
	[tilespmem:$0x10080] =	vst v63  }
0x3b: {  	s10 =	rddreg [dreg:$0xc];
	v3 =	vperm.xlane v3, v2  }
0x3c: {  	[tilespmem:s10], [sflag:$0x1] =	stream.indirect_vreg.gather [hbm4b:s4+s2], $0x80, v4, vm0, $0xb8;
	[tilespmem:$0x10080] =	vst v63  }
0x3d: {  	v3 =	vadd.s32 v1, v3;
	s0 =	rddreg [dreg:$0xd]  }
0x3e: {  	[tilespmem:s0], [sflag:$0x1] =	stream.indirect_vreg.gather [hbm4b:s5+s2], $0x80, v4, vm0, $0xb8;
	[tilespmem:$0x10080] =	vst v63  }
0x3f: {  	s10 =	rddreg [dreg:$0xe]  }
0x40: {  	[tilespmem:s10], [sflag:$0x1] =	stream.indirect_vreg.gather [hbm4b:s6+s2], $0x80, v4, vm0, $0xb8;
	[tilespmem:$0x10080] =	vst v63  }
0x41: {  	s10 =	simm.s32 $0x6080  }
0x42: {  	[tilespmem:s10], [sflag:$0x1] =	stream.indirect_vreg.gather [hbm4b:s3+s2], $0x80, v3, vm0, $0xb8;
	[tilespmem:$0x10080] =	vst v63  }
0x43: {  	_ = 	snop  }
0x44: {  	[tilespmem:s11], [sflag:$0x1] =	stream.indirect_vreg.gather [hbm4b:s4+s2], $0x80, v3, vm0, $0xb8;
	[tilespmem:$0x10080] =	vst v63  }
0x45: {  	_ = 	snop  }
0x46: {  	[tilespmem:s12], [sflag:$0x1] =	stream.indirect_vreg.gather [hbm4b:s5+s2], $0x80, v3, vm0, $0xb8;
	[tilespmem:$0x10080] =	vst v63  }
0x47: {  	_ = 	snop  }
0x48: {  	[tilespmem:s13], [sflag:$0x1] =	stream.indirect_vreg.gather [hbm4b:s6+s2], $0x80, v3, vm0, $0xb8;
	[tilespmem:$0x10080] =	vst v63  }
0x49: {  	v3 =	vld [tilespmem:$0x20];
	_ =	sdelay $0x4  }
0x4a: {  	v62 =	vshll.u32 v3, $0x3  }
0x4b: {  	v3 =	vand.u32 $0x7, v3;
	v4 =	vand.u32 $0xFFFFFFC0, v62  }
0x4c: {  	v3 =	vor.u32 v3, v4  }
0x4d: {  	v4 =	vperm.xlane v3, v0;
	_ =	sdelay $0x1  }
0x4e: {  	v4 =	vadd.s32 v1, v4;
	_ =	sdelay $0x4  }
0x4f: {  	[tilespmem:s14], [sflag:$0x1] =	stream.indirect_vreg.gather [hbm4b:s3+s2], $0x80, v4, vm0, $0xb8;
	[tilespmem:$0x10080] =	vst v63  }
0x50: {  	v3 =	vperm.xlane v3, v2  }
0x51: {  	[tilespmem:s15], [sflag:$0x1] =	stream.indirect_vreg.gather [hbm4b:s4+s2], $0x80, v4, vm0, $0xb8;
	[tilespmem:$0x10080] =	vst v63  }
0x52: {  	v3 =	vadd.s32 v1, v3  }
0x53: {  	[tilespmem:s16], [sflag:$0x1] =	stream.indirect_vreg.gather [hbm4b:s5+s2], $0x80, v4, vm0, $0xb8;
	[tilespmem:$0x10080] =	vst v63  }
0x54: {  	_ = 	snop  }
0x55: {  	[tilespmem:s17], [sflag:$0x1] =	stream.indirect_vreg.gather [hbm4b:s6+s2], $0x80, v4, vm0, $0xb8;
	[tilespmem:$0x10080] =	vst v63  }
0x56: {  	_ = 	snop  }
0x57: {  	[tilespmem:s18], [sflag:$0x1] =	stream.indirect_vreg.gather [hbm4b:s3+s2], $0x80, v3, vm0, $0xb8;
	[tilespmem:$0x10080] =	vst v63  }
0x58: {  	_ = 	snop  }
0x59: {  	[tilespmem:s19], [sflag:$0x1] =	stream.indirect_vreg.gather [hbm4b:s4+s2], $0x80, v3, vm0, $0xb8;
	[tilespmem:$0x10080] =	vst v63  }
0x5a: {  	_ = 	snop  }
0x5b: {  	[tilespmem:s20], [sflag:$0x1] =	stream.indirect_vreg.gather [hbm4b:s5+s2], $0x80, v3, vm0, $0xb8;
	[tilespmem:$0x10080] =	vst v63  }
0x5c: {  	_ = 	snop  }
0x5d: {  	[tilespmem:s21], [sflag:$0x1] =	stream.indirect_vreg.gather [hbm4b:s6+s2], $0x80, v3, vm0, $0xb8;
	[tilespmem:$0x10080] =	vst v63  }
0x5e: {  	v3 =	vld [tilespmem:$0x30];
	_ =	sdelay $0x4  }
0x5f: {  	v63 =	vshll.u32 v3, $0x3  }
0x60: {  	v3 =	vand.u32 $0x7, v3;
	v4 =	vand.u32 $0xFFFFFFC0, v63  }
0x61: {  	v3 =	vor.u32 v3, v4  }
0x62: {  	v4 =	vperm.xlane v3, v0;
	_ =	sdelay $0x1  }
0x63: {  	v4 =	vadd.s32 v1, v4;
	_ =	sdelay $0x4  }
0x64: {  	[tilespmem:s22], [sflag:$0x1] =	stream.indirect_vreg.gather [hbm4b:s3+s2], $0x80, v4, vm0, $0xb8;
	[tilespmem:$0x10080] =	vst v63  }
0x65: {  	v3 =	vperm.xlane v3, v2  }
0x66: {  	[tilespmem:s23], [sflag:$0x1] =	stream.indirect_vreg.gather [hbm4b:s4+s2], $0x80, v4, vm0, $0xb8;
	[tilespmem:$0x10080] =	vst v63  }
0x67: {  	v3 =	vadd.s32 v1, v3  }
0x68: {  	[tilespmem:s24], [sflag:$0x1] =	stream.indirect_vreg.gather [hbm4b:s5+s2], $0x80, v4, vm0, $0xb8;
	[tilespmem:$0x10080] =	vst v63  }
0x69: {  	_ = 	snop  }
0x6a: {  	[tilespmem:s25], [sflag:$0x1] =	stream.indirect_vreg.gather [hbm4b:s6+s2], $0x80, v4, vm0, $0xb8;
	[tilespmem:$0x10080] =	vst v63  }
0x6b: {  	_ = 	snop  }
0x6c: {  	[tilespmem:s26], [sflag:$0x1] =	stream.indirect_vreg.gather [hbm4b:s3+s2], $0x80, v3, vm0, $0xb8;
	[tilespmem:$0x10080] =	vst v63  }
0x6d: {  	_ = 	snop  }
0x6e: {  	[tilespmem:s28], [sflag:$0x1] =	stream.indirect_vreg.gather [hbm4b:s4+s2], $0x80, v3, vm0, $0xb8;
	[tilespmem:$0x10080] =	vst v63  }
0x6f: {  	_ = 	snop  }
0x70: {  	[tilespmem:s29], [sflag:$0x1] =	stream.indirect_vreg.gather [hbm4b:s5+s2], $0x80, v3, vm0, $0xb8;
	[tilespmem:$0x10080] =	vst v63  }
0x71: {  	_ = 	snop  }
0x72: {  	[tilespmem:s30], [sflag:$0x1] =	stream.indirect_vreg.gather [hbm4b:s6+s2], $0x80, v3, vm0, $0xb8;
	[tilespmem:$0x10080] =	vst v63  }
0x73: {  	_ =	swait.ge [sflag:s31], $0x10000  }
0x74: {  	p0 =	sne.s32 s7, $0x1;
	[sflag:s31] =	ssyncset.done $0x0  }
.Ltmp0:
0x75: {  	s10 =	rddreg [dreg:$0x3];
	[sflag:s31] =	ssyncadd.s32 $0xFFFF0000;
	(pc) =	sbr.rel @p0 .LBB2_1-.Ltmp0, $4  }
0x76: {  	[hbm4b:s10+s2] =	stream.linear.scatter [tilespmem:s9], [sflag:$0x2], $0x10000, $0x38;
	[tilespmem:$0x10080] =	vst v63  }
0x77: {  	_ =	swait.ge [sflag:s1], $0x10000  }
0x78: {  	[sflag:s1] =	ssyncset.done $0x0  }
0x79: {  	s7 =	sadd.s32 $0xFFFFFFFF, s7;
	[sflag:s1] =	ssyncadd.s32 $0xFFFF0000  }
0x7a: {  	_ =	sfence.sel $0x180000  }
0x7b: {  	[bflag:$0x0] =	sbarrier.arrive $0xFFFF  }
0x7c: {  	_ =	strace $0x9000004D  }
0x7d: {  	s0 =	stileid.u32;
	[bflag:$0x2] =	sbarrier.arrive $0xFFFF  }
0x7e: {  	p0 =	sne.s32 s0, $0x0;
	s0 =	rddreg [dreg:$0x1]  }
0x7f: {  	s0 =	sadd.s32 @!p0 $0x100000, s0  }
0x80: {  	[sflag:s0] =	ssyncadd.tile.s32 @!p0 $0x1;
	_ =	shalt  }
.Lfunc_end2:
_tile_overlayer_lowered:
.L_overlay_start_2:
0x81: {  	(tag) =	ssettag $0x2  }
0x82: {  	s0 =	rddreg [dreg:$0x0];
	s2 =	stileid.u32  }
0x83: {  	s1 =	rddreg [dreg:$0x1];
	p0 =	sne.s32 s2, $0x0  }
0x84: {  	s3 =	rddreg [dreg:$0x2];
	[bflag:$0x3] =	sbarrier.arrive $0xFFFF;
	s2 =	simm.s32 @!p0 $0x1C03  }
0x85: {  	[timem:s3], [sflag:s2] =	dma.local @!p0 [hbm:s0], s1  }
0x86: {  	s0 =	simm.s32 @!p0 $0x3  }
0x87: {  	_ =	swait.ge @!p0 [sflag:s0], s1  }
0x88: {  	s1 =	ssub.s32 @!p0 $0x0, s1;
	[sflag:s0] =	ssyncset.done @!p0 $0x0  }
0x89: {  	[sflag:s0] =	ssyncadd.s32 @!p0 s1  }
0x8a: {  	[bflag:$0x3] =	sbarrier.arrive $0xFFFF  }
0x8b: {  	_ =	shalt  }

// kernel: kernel.9.cloned.1.call-start
scs
__scs_entry_jumppad:
0x0: {  	(pc) =	sbr.rel $0x88, $3  }
0x1: {  	(tag) =	ssettag $0x0;
	lr =	simm.s32 $0x1  }
0x2: {  	[smem:$0x3F96] =	sst lr;
	_ =	strace $0xD0000000  }
0x3: {  	_ = 	snop  }
0x4: {  	_ = 	snop  }
0x5: {  	_ = 	snop  }
0x6: {  	_ = 	snop  }
0x7: {  	_ = 	snop  }
__scs_overlays_trampoline_lowered:
0x8: {  	[smem:$0x3FA5] =	sst s0  }
0x9: {  	[smem:$0x3FA6] =	sst s1  }
0xa: {  	[smem:$0x3FA7] =	sst s2  }
0xb: {  	[smem:$0x3FA8] =	sst s3  }
0xc: {  	[smem:$0x3FA9] =	sst s4  }
0xd: {  	[smem:$0x3FAA] =	sst s5  }
0xe: {  	[smem:$0x3FAB] =	sst s6  }
0xf: {  	[smem:$0x3FAC] =	sst s7  }
0x10: {  	[smem:$0x3FAD] =	sst s8  }
0x11: {  	[smem:$0x3FAE] =	sst s9;
	s0 =	simm.s32 @!p0 $0x0  }
0x12: {  	s1 =	sld [smem:$0x3F94];
	s0 =	simm.s32 @p0 $0x1  }
0x13: {  	[smem:$0x3FAF] =	sst s0;
	s0 =	simm.s32 @!p1 $0x0  }
0x14: {  	s2 =	sld [smem:$0x3F93];
	s0 =	simm.s32 @p1 $0x1  }
0x15: {  	[smem:$0x3FB0] =	sst s0;
	s0 =	simm.s32 @!p2 $0x0  }
0x16: {  	s3 =	sld [smem:$0x3FDB];
	s0 =	simm.s32 @p2 $0x1  }
0x17: {  	s4 =	simm.s32 $0x1BF5;
	[smem:$0x3FB2] =	sst s0  }
0x18: {  	s0 =	sld [smem:$0x3F95];
	_ =	swait.ge [sflag:s4], $0x0  }
0x19: {  	s7 =	sld [smem:$0x3F96]  }
0x1a: {  	s8 =	sadd.s32 $0xFFFFE003, lr  }
0x1b: {  	s9 =	sadd.s32 $0xFFFFFEF7, lr;
	s5 =	simm.s32 $0xFFFFFFFF;
	p2 =	slt.u32 s8, $0xFFFFF086  }
0x1c: {  	p1 =	slt.u32 s9, $0xF7A;
	s5 =	simm.s32 @!p2 $0x0  }
0x1d: {  	s5 =	simm.s32 @p1 $0x1;
	p0 =	seq.s32 s7, s2  }
0x1e: {  	s7 =	smul.u32 @!p0 $0xF7A, s2;
	p2 =	seq.s32 @!p0 s5, $0x0  }
0x1f: {  	s9 =	smul.u32 $0xF7A, s1;
	s8 =	simm.s32 @!p0 $0x1BF5;
	p2 =	por !p2, p0  }
0x20: {  	[sflag:s8] =	ssyncset.s32 @!p0 $0xFFFFF086;
	s6 =	sadd.s32 @!p0 s3, s7;
	s7 =	simm.s32 @!p0 $0x108  }
0x21: {  	s3 =	sadd.s32 s3, s9;
	s6 =	sadd.s32 @!p0 $0x88, s6;
	s7 =	simm.s32 @p2 $0x1082  }
0x22: {  	[simem:s7], [sflag:s8] =	dma.local @!p0 [hbm:s6], $0xF7A  }
0x23: {  	s9 =	sor.u32 $0xD0000000, s2;
	s6 =	simm.s32 $0x108;
	_ =	swait.ge @!p0 [sflag:s8], $0x0  }
0x24: {  	s3 =	sadd.s32 $0x88, s3;
	s6 =	simm.s32 @!p1 $0x1082;
	[sflag:s4] =	ssyncset.s32 $0xFFFFF086  }
0x25: {  	[simem:s6], [sflag:s4] =	dma.local [hbm:s3], $0xF7A  }
0x26: {  	[smem:$0x3F96] =	sst s1;
	(tag) =	ssettag s2;
	_ =	strace s9  }
0x27: {  	s1 =	sld [smem:$0x3FA6]  }
0x28: {  	s2 =	sld [smem:$0x3FA7]  }
0x29: {  	s4 =	sld [smem:$0x3FA9]  }
0x2a: {  	p0 =	seq.s32 s5, $0x0;
	s5 =	sld [smem:$0x3FAA]  }
0x2b: {  	s6 =	sld [smem:$0x3FAB]  }
0x2c: {  	s7 =	sld [smem:$0x3FAC]  }
0x2d: {  	s3 =	simm.s32 $0x108;
	s8 =	sld [smem:$0x3FAD]  }
0x2e: {  	s3 =	simm.s32 @!p0 $0x1082;
	s9 =	sld [smem:$0x3FAE]  }
0x2f: {  	lr =	sadd.s32 s0, s3;
	s0 =	sld [smem:$0x3FA5]  }
0x30: {  	s3 =	sld [smem:$0x3FA8]  }
0x31: {  	[smem:$0x3FB1] =	sst s10  }
0x32: {  	s10 =	sld [smem:$0x3FAF];
	_ =	sdelay $0x3  }
0x33: {  	p0 =	seq.s32 s10, $0x1;
	s10 =	sld [smem:$0x3FB1];
	_ =	sdelay $0x3  }
0x34: {  	[smem:$0x3FB1] =	sst s10  }
0x35: {  	s10 =	sld [smem:$0x3FB0];
	_ =	sdelay $0x3  }
0x36: {  	p1 =	seq.s32 s10, $0x1;
	s10 =	sld [smem:$0x3FB1];
	_ =	sdelay $0x3  }
0x37: {  	[smem:$0x3FB1] =	sst s10  }
0x38: {  	s10 =	sld [smem:$0x3FB2]  }
0x39: {  	_ = 	snop;
	(pc) =	sbr.ind lr, $3  }
0x3a: {  	_ = 	snop  }
0x3b: {  	_ = 	snop  }
0x3c: {  	p2 =	seq.s32 s10, $0x1;
	s10 =	sld [smem:$0x3FB1]  }
0x3d: {  	_ =	shalt  }
0x3e: {  	_ =	shalt  }
0x3f: {  	_ =	shalt  }
0x40: {  	_ =	shalt  }
0x41: {  	_ =	shalt  }
0x42: {  	_ =	shalt  }
0x43: {  	_ =	shalt  }
0x44: {  	_ =	shalt  }
0x45: {  	_ =	shalt  }
0x46: {  	_ =	shalt  }
0x47: {  	_ =	shalt  }
0x48: {  	_ =	shalt  }
0x49: {  	_ =	shalt  }
0x4a: {  	_ =	shalt  }
0x4b: {  	_ =	shalt  }
0x4c: {  	_ =	shalt  }
0x4d: {  	_ =	shalt  }
0x4e: {  	_ =	shalt  }
0x4f: {  	_ =	shalt  }
0x50: {  	_ =	shalt  }
0x51: {  	_ =	shalt  }
0x52: {  	_ =	shalt  }
0x53: {  	_ =	shalt  }
0x54: {  	_ =	shalt  }
0x55: {  	_ =	shalt  }
0x56: {  	_ =	shalt  }
0x57: {  	_ =	shalt  }
0x58: {  	_ =	shalt  }
0x59: {  	_ =	shalt  }
0x5a: {  	_ =	shalt  }
0x5b: {  	_ =	shalt  }
0x5c: {  	_ =	shalt  }
0x5d: {  	_ =	shalt  }
0x5e: {  	_ =	shalt  }
0x5f: {  	_ =	shalt  }
0x60: {  	_ =	shalt  }
0x61: {  	_ =	shalt  }
0x62: {  	_ =	shalt  }
0x63: {  	_ =	shalt  }
0x64: {  	_ =	shalt  }
0x65: {  	_ =	shalt  }
0x66: {  	_ =	shalt  }
0x67: {  	_ =	shalt  }
0x68: {  	_ =	shalt  }
0x69: {  	_ =	shalt  }
0x6a: {  	_ =	shalt  }
0x6b: {  	_ =	shalt  }
0x6c: {  	_ =	shalt  }
0x6d: {  	_ =	shalt  }
0x6e: {  	_ =	shalt  }
0x6f: {  	_ =	shalt  }
0x70: {  	_ =	shalt  }
0x71: {  	_ =	shalt  }
0x72: {  	_ =	shalt  }
0x73: {  	_ =	shalt  }
0x74: {  	_ =	shalt  }
0x75: {  	_ =	shalt  }
0x76: {  	_ =	shalt  }
0x77: {  	_ =	shalt  }
0x78: {  	_ =	shalt  }
0x79: {  	_ =	shalt  }
0x7a: {  	_ =	shalt  }
0x7b: {  	_ =	shalt  }
0x7c: {  	_ =	shalt  }
0x7d: {  	_ =	shalt  }
0x7e: {  	_ =	shalt  }
0x7f: {  	_ =	shalt  }
0x80: {  	_ =	shalt  }
0x81: {  	_ =	shalt  }
0x82: {  	_ =	shalt  }
0x83: {  	_ =	shalt  }
0x84: {  	_ =	shalt  }
0x85: {  	_ =	shalt  }
0x86: {  	_ =	shalt  }
0x87: {  	_ =	shalt  }
.Lfunc_end0:
.L_simem_size_0:
called_computation.1_lowered:
.L_overlay_start_0:
0x88: {  	s2 =	sld [smem:$0x3FD9]  }
0x89: {  	s3 =	sld [smem:$0x3FFE];
	_ =	sdelay $0x1  }
0x8a: {  	s1 =	srdreg.scid  }
0x8b: {  	s0 =	sand.u32 $0x1, s1  }
0x8c: {  	s17 =	sshll.u32 s0, $0xA;
	s2 =	sadd.s32 s3, s2  }
0x8d: {  	s2 =	sadd.s32 s2, s17  }
0x8e: {  	[smem:$0x3FBD] =	sst s2  }
0x8f: {  	_ = 	snop  }
0x90: {  	s2 =	sld [smem:$0x3FC9];
	(tm) =	ssettm $0x1  }
0x91: {  	s18 =	sld [smem:$0x3FFB];
	_ =	sdelay $0x3  }
0x92: {  	_ =	strace s18  }
0x93: {  	s3 =	sld [smem:$0x3FFC];
	_ =	sdelay $0x3  }
0x94: {  	_ =	strace s3  }
0x95: {  	s3 =	sld [smem:$0x3FFD];
	_ =	sdelay $0x3  }
0x96: {  	_ =	strace s3  }
0x97: {  	_ =	strace $0x8FFFFFFF  }
0x98: {  	s19 =	sld [smem:$0x3FDB];
	_ =	sdelay $0x1  }
0x99: {  	s4 =	simm.s32 $_scs_section_size  }
0x9a: {  	s5 =	simm.s32 $_size__tile_overlayer_lowered;
	s6 =	simm.s32 $_tile_overlayer_lowered  }
0x9b: {  	s22 =	simm.s32 $0x1BFF;
	s21 =	sshll.u32 s6, $0x1;
	s3 =	sadd.s32 s4, s19  }
0x9c: {  	s7 =	simm.s32 $0x0;
	s20 =	sshll.u32 s5, $0x1;
	s5 =	sadd.s32 s21, s3  }
0x9d: {  	[timem:s7], [sflag:s22] =	dma.local [hbm:s5], s20  }
0x9e: {  	_ =	swait.ge [sflag:s22], s20  }
0x9f: {  	s4 =	ssub.s32 $0x0, s20;
	[sflag:s22] =	ssyncset.done $0x0  }
0xa0: {  	[sflag:s22] =	ssyncadd.s32 s4;
	_ =	sdelay $0x1  }
0xa1: {  	s23 =	simm.s32 $0x1B8B  }
0xa2: {  	_ =	swait.ge [sflag:s23], $0x1  }
0xa3: {  	[sflag:s23] =	ssyncset.done $0x0  }
0xa4: {  	s25 =	simm.s32 $0x1B8E;
	s24 =	sld [smem:$0x3FFE];
	[sflag:s23] =	ssyncadd.s32 $0xFFFFFFFF  }
0xa5: {  	s26 =	simm.s32 $execute0_lowered;
	[smem:$0x3FD2] =	sst s25  }
0xa6: {  	s5 =	sshll.u32 s26, $0x1;
	_ =	strace $0x80000049;
	[dreg:$0x1] =	wrdreg $0xFFFFFFFF  }
0xa7: {  	s28 =	simm.s32 $_size_execute0_lowered;
	s3 =	sadd.s32 s3, s5;
	[dreg:$0x0] =	wrdreg $0x0  }
0xa8: {  	s5 =	sshll.u32 s28, $0x1;
	[dreg:$0x2] =	wrdreg s3  }
0xa9: {  	[dreg:$0x3] =	wrdreg s5  }
0xaa: {  	[dreg:$0x4] =	wrdreg $0xC0  }
0xab: {  	_ =	task [dreg:s7], $0x5FFFF  }
0xac: {  	[dreg:$0x1] =	wrdreg $0xFFFFFFFF  }
0xad: {  	[dreg:$0x0] =	wrdreg $0x60  }
0xae: {  	[dreg:$0x2] =	wrdreg s2  }
0xaf: {  	[dreg:$0x3] =	wrdreg s24  }
0xb0: {  	[dreg:$0x4] =	wrdreg $0x9  }
0xb1: {  	_ =	task.clear_ibuf [dreg:s7], $0x5FFFF;
	_ =	strace $0x90000049  }
0xb2: {  	s29 =	simm.s32 $0x9;
	_ =	strace $0x8000004B  }
0xb3: {  	_ =	swait.ge [sflag:s29], $0x1  }
0xb4: {  	[sflag:s29] =	ssyncadd.s32 $0xFFFFFFFF  }
0xb5: {  	_ =	strace $0x9000004B  }
0xb6: {  	_ =	sfence  }
0xb7: {  	s30 =	sld [smem:$0x0];
	_ =	sdelay $0x2  }
0xb8: {  	s31 =	sshll.u32 s1, $0xD;
	s1 =	sshrl.u32 s1, $0x2  }
0xb9: {  	s3 =	sand.u32 $0x4000, s31;
	s1 =	sadd.s32 s1, s30  }
0xba: {  	s0 =	sor.u32 s3, s0;
	s1 =	sshll.u32 s1, $0x11  }
0xbb: {  	s0 =	sor.u32 s1, s0  }
0xbc: {  	s0 =	sadd.s32 $0x8F2B, s0  }
0xbd: {  	[sflag:s0] =	ssyncadd.remote.s32 $0x1  }
0xbe: {  	_ =	sfence.sel $0xFFFF  }
0xbf: {  	[dreg:$0x0] =	wrdreg $0xFFFFFFFF;
	(pc) =	sbr.abs _section_cstart, $3  }
0xc0: {  	[dreg:$0x1] =	wrdreg $0xFFFFFFFF  }
0xc1: {  	_ =	task.clear_ibuf [dreg:s7], $0x2FFFF;
	_ =	strace $0x9FFFFFFF  }
0xc2: {  	(tm) =	ssettm $0x7FFFFFFF  }
0xc3: {  	_ =	shalt  }
tec
execute0_lowered:
.L_overlay_start_1:
0x0: {  	(tag) =	ssettag $0x1  }
0x1: {  	s0 =	srdreg.scid  }
0x2: {  	s1 =	stileid.u32;
	s2 =	rddreg [dreg:$0x0]  }
0x3: {  	s4 =	rddreg [dreg:$0x1];
	s3 =	simm.s32 $0x0;
	s18 =	simm.s32 $0x900  }
0x4: {  	s19 =	simm.s32 $0x1100;
	s20 =	simm.s32 $0x1900;
	s21 =	simm.s32 $0x2100  }
0x5: {  	s22 =	simm.s32 $0x2900;
	s23 =	simm.s32 $0x3100;
	s24 =	simm.s32 $0x3900  }
0x6: {  	s25 =	simm.s32 $0x4100;
	s28 =	simm.s32 $0x5100;
	s29 =	simm.s32 $0x5900  }
0x7: {  	s30 =	simm.s32 $0x6100;
	s31 =	simm.s32 $0x6900;
	s12 =	simm.s32 $0x8900  }
0x8: {  	s11 =	simm.s32 $0xA100;
	s0 =	sand.u32 $0x1, s0;
	s1 =	sshll.u32 s1, $0x1  }
0x9: {  	s13 =	simm.s32 $0xA900;
	s14 =	simm.s32 $0xB100;
	s1 =	sor.u32 s0, s1  }
0xa: {  	s15 =	simm.s32 $0xB900;
	s16 =	simm.s32 $0xC100;
	s5 =	smul.u32 $0x18, s1  }
0xb: {  	[smem:$0x7FF] =	sst s3;
	s0 =	ssub.s32 $0x2, s0;
	s6 =	smul.u32 $0x6000, s1  }
0xc: {  	_ =	strace $0x8000004A;
	s1 =	smul.u32 $0x30000, s1;
	s7 =	sshrl.u32 s0, $0x1  }
0xd: {  	s0 =	ssub.s32 s0, s7;
	s7 =	sadd.s32 $0x300, s2;
	s5 =	sadd.s32 s5, s4  }
0xe: {  	s4 =	sadd.s32 $0x20E00, s4;
	s1 =	sshrl.u32 s1, $0x3;
	s5 =	sadd.s32 $0x20A00, s5  }
0xf: {  	s10 =	smax.u32 s0, $0x1;
	s6 =	sadd.s32 s4, s6;
	[dreg:$0x3] =	wrdreg s5  }
0x10: {  	s1 =	sadd.s32 s4, s1;
	[dreg:$0x7] =	wrdreg s6;
	s26 =	sadd.s32 $0x1800, s6  }
0x11: {  	v2 =	vlaneseq.u32;
	s4 =	sadd.s32 $0x3000, s1;
	s5 =	sadd.s32 $0x100, s2;
	[dreg:$0x4] =	wrdreg s26  }
0x12: {  	vm0 =	vmmov $0xffff;
	v1 =	vshrl.u32 v2, $0x3;
	s1 =	sadd.s32 $0x4800, s1;
	s6 =	sadd.s32 $0x200, s2;
	[dreg:$0x5] =	wrdreg s4  }
0x13: {  	v0 =	vand.u32 $0x7, v2;
	v2 =	vor.u32 $0x8, v2;
	v1 =	vmul.u32 $0x8, v1;
	[dreg:$0x6] =	wrdreg s1;
	s26 =	simm.s32 $0x4900;
	s1 =	simm.s32 $0x3  }
.LBB2_1:
0x14: {  	s17 =	rddreg [dreg:$0x3];
	s0 =	simm.s32 $0x5  }
0x15: {  	[tilespmem:s3], [sflag:$0x5] =	stream.linear.gather [hbm4b:s17+s3], $0xC0, $0x38;
	[tilespmem:$0x18100] =	vst v63  }
0x16: {  	_ =	swait.ge [sflag:s0], $0xC0  }
0x17: {  	[sflag:s0] =	ssyncset.done $0x0  }
0x18: {  	[sflag:s0] =	ssyncadd.s32 $0xFFFFFF40  }
0x19: {  	v3 =	vld [tilespmem:$0x0];
	_ =	sdelay $0x4  }
0x1a: {  	v4 =	vshll.u32 v3, $0x3  }
0x1b: {  	v3 =	vand.u32 $0x7, v3;
	v4 =	vand.u32 $0xFFFFFFC0, v4  }
0x1c: {  	v3 =	vor.u32 v3, v4  }
0x1d: {  	v4 =	vperm.xlane v3, v0;
	_ =	sdelay $0x1  }
0x1e: {  	v4 =	vadd.s32 v1, v4;
	_ =	sdelay $0x3  }
0x1f: {  	s4 =	simm.s32 $0x100  }
0x20: {  	[tilespmem:s4], [sflag:$0x1] =	stream.indirect_vreg.gather [hbm4b:s2+s3], $0x80, v4, vm0, $0xb8;
	[tilespmem:$0x18100] =	vst v63  }
0x21: {  	v3 =	vperm.xlane v3, v2  }
0x22: {  	[tilespmem:s18], [sflag:$0x1] =	stream.indirect_vreg.gather [hbm4b:s5+s3], $0x80, v4, vm0, $0xb8;
	[tilespmem:$0x18100] =	vst v63  }
0x23: {  	v3 =	vadd.s32 v1, v3  }
0x24: {  	[tilespmem:s19], [sflag:$0x1] =	stream.indirect_vreg.gather [hbm4b:s6+s3], $0x80, v4, vm0, $0xb8;
	[tilespmem:$0x18100] =	vst v63  }
0x25: {  	_ = 	snop  }
0x26: {  	[tilespmem:s20], [sflag:$0x1] =	stream.indirect_vreg.gather [hbm4b:s7+s3], $0x80, v4, vm0, $0xb8;
	[tilespmem:$0x18100] =	vst v63  }
0x27: {  	_ = 	snop  }
0x28: {  	[tilespmem:s21], [sflag:$0x1] =	stream.indirect_vreg.gather [hbm4b:s2+s3], $0x80, v3, vm0, $0xb8;
	[tilespmem:$0x18100] =	vst v63  }
0x29: {  	_ = 	snop  }
0x2a: {  	[tilespmem:s22], [sflag:$0x1] =	stream.indirect_vreg.gather [hbm4b:s5+s3], $0x80, v3, vm0, $0xb8;
	[tilespmem:$0x18100] =	vst v63  }
0x2b: {  	_ = 	snop  }
0x2c: {  	[tilespmem:s23], [sflag:$0x1] =	stream.indirect_vreg.gather [hbm4b:s6+s3], $0x80, v3, vm0, $0xb8;
	[tilespmem:$0x18100] =	vst v63  }
0x2d: {  	_ = 	snop  }
0x2e: {  	[tilespmem:s24], [sflag:$0x1] =	stream.indirect_vreg.gather [hbm4b:s7+s3], $0x80, v3, vm0, $0xb8;
	[tilespmem:$0x18100] =	vst v63  }
0x2f: {  	v3 =	vld [tilespmem:$0x10];
	_ =	sdelay $0x4  }
0x30: {  	v53 =	vshll.u32 v3, $0x3  }
0x31: {  	v3 =	vand.u32 $0x7, v3;
	v4 =	vand.u32 $0xFFFFFFC0, v53  }
0x32: {  	v3 =	vor.u32 v3, v4  }
0x33: {  	v4 =	vperm.xlane v3, v0;
	_ =	sdelay $0x1  }
0x34: {  	v4 =	vadd.s32 v1, v4;
	_ =	sdelay $0x4  }
0x35: {  	[tilespmem:s25], [sflag:$0x1] =	stream.indirect_vreg.gather [hbm4b:s2+s3], $0x80, v4, vm0, $0xb8;
	[tilespmem:$0x18100] =	vst v63  }
0x36: {  	v3 =	vperm.xlane v3, v2  }
0x37: {  	[tilespmem:s26], [sflag:$0x1] =	stream.indirect_vreg.gather [hbm4b:s5+s3], $0x80, v4, vm0, $0xb8;
	[tilespmem:$0x18100] =	vst v63  }
0x38: {  	v3 =	vadd.s32 v1, v3  }
0x39: {  	[tilespmem:s28], [sflag:$0x1] =	stream.indirect_vreg.gather [hbm4b:s6+s3], $0x80, v4, vm0, $0xb8;
	[tilespmem:$0x18100] =	vst v63  }
0x3a: {  	_ = 	snop  }
0x3b: {  	[tilespmem:s29], [sflag:$0x1] =	stream.indirect_vreg.gather [hbm4b:s7+s3], $0x80, v4, vm0, $0xb8;
	[tilespmem:$0x18100] =	vst v63  }
0x3c: {  	_ = 	snop  }
0x3d: {  	[tilespmem:s30], [sflag:$0x1] =	stream.indirect_vreg.gather [hbm4b:s2+s3], $0x80, v3, vm0, $0xb8;
	[tilespmem:$0x18100] =	vst v63  }
0x3e: {  	_ = 	snop  }
0x3f: {  	[tilespmem:s31], [sflag:$0x1] =	stream.indirect_vreg.gather [hbm4b:s5+s3], $0x80, v3, vm0, $0xb8;
	[tilespmem:$0x18100] =	vst v63  }
0x40: {  	s8 =	simm.s32 $0x7100  }
0x41: {  	[tilespmem:s8], [sflag:$0x1] =	stream.indirect_vreg.gather [hbm4b:s6+s3], $0x80, v3, vm0, $0xb8;
	[tilespmem:$0x18100] =	vst v63  }
0x42: {  	s9 =	simm.s32 $0x7900  }
0x43: {  	[tilespmem:s9], [sflag:$0x1] =	stream.indirect_vreg.gather [hbm4b:s7+s3], $0x80, v3, vm0, $0xb8;
	[tilespmem:$0x18100] =	vst v63  }
0x44: {  	v3 =	vld [tilespmem:$0x20];
	_ =	sdelay $0x4  }
0x45: {  	v54 =	vshll.u32 v3, $0x3  }
0x46: {  	v3 =	vand.u32 $0x7, v3;
	v4 =	vand.u32 $0xFFFFFFC0, v54  }
0x47: {  	v3 =	vor.u32 v3, v4  }
0x48: {  	v4 =	vperm.xlane v3, v0;
	_ =	sdelay $0x1  }
0x49: {  	v4 =	vadd.s32 v1, v4;
	_ =	sdelay $0x3  }
0x4a: {  	s4 =	simm.s32 $0x8100  }
0x4b: {  	[tilespmem:s4], [sflag:$0x1] =	stream.indirect_vreg.gather [hbm4b:s2+s3], $0x80, v4, vm0, $0xb8;
	[tilespmem:$0x18100] =	vst v63  }
0x4c: {  	v3 =	vperm.xlane v3, v2  }
0x4d: {  	[tilespmem:s12], [sflag:$0x1] =	stream.indirect_vreg.gather [hbm4b:s5+s3], $0x80, v4, vm0, $0xb8;
	[tilespmem:$0x18100] =	vst v63  }
0x4e: {  	s9 =	simm.s32 $0x9100;
	v3 =	vadd.s32 v1, v3  }
0x4f: {  	[tilespmem:s9], [sflag:$0x1] =	stream.indirect_vreg.gather [hbm4b:s6+s3], $0x80, v4, vm0, $0xb8;
	[tilespmem:$0x18100] =	vst v63  }
0x50: {  	s17 =	simm.s32 $0x9900  }
0x51: {  	[tilespmem:s17], [sflag:$0x1] =	stream.indirect_vreg.gather [hbm4b:s7+s3], $0x80, v4, vm0, $0xb8;
	[tilespmem:$0x18100] =	vst v63  }
0x52: {  	_ = 	snop  }
0x53: {  	[tilespmem:s11], [sflag:$0x1] =	stream.indirect_vreg.gather [hbm4b:s2+s3], $0x80, v3, vm0, $0xb8;
	[tilespmem:$0x18100] =	vst v63  }
0x54: {  	_ = 	snop  }
0x55: {  	[tilespmem:s13], [sflag:$0x1] =	stream.indirect_vreg.gather [hbm4b:s5+s3], $0x80, v3, vm0, $0xb8;
	[tilespmem:$0x18100] =	vst v63  }
0x56: {  	_ = 	snop  }
0x57: {  	[tilespmem:s14], [sflag:$0x1] =	stream.indirect_vreg.gather [hbm4b:s6+s3], $0x80, v3, vm0, $0xb8;
	[tilespmem:$0x18100] =	vst v63  }
0x58: {  	_ = 	snop  }
0x59: {  	[tilespmem:s15], [sflag:$0x1] =	stream.indirect_vreg.gather [hbm4b:s7+s3], $0x80, v3, vm0, $0xb8;
	[tilespmem:$0x18100] =	vst v63  }
0x5a: {  	v3 =	vld [tilespmem:$0x30];
	_ =	sdelay $0x4  }
0x5b: {  	v55 =	vshll.u32 v3, $0x3  }
0x5c: {  	v3 =	vand.u32 $0x7, v3;
	v4 =	vand.u32 $0xFFFFFFC0, v55  }
0x5d: {  	v3 =	vor.u32 v3, v4  }
0x5e: {  	v4 =	vperm.xlane v3, v0;
	_ =	sdelay $0x1  }
0x5f: {  	v4 =	vadd.s32 v1, v4;
	_ =	sdelay $0x4  }
0x60: {  	[tilespmem:s16], [sflag:$0x2] =	stream.indirect_vreg.gather [hbm4b:s2+s3], $0x80, v4, vm0, $0xb8;
	[tilespmem:$0x18100] =	vst v63  }
0x61: {  	s8 =	simm.s32 $0xC900;
	v3 =	vperm.xlane v3, v2  }
0x62: {  	[tilespmem:s8], [sflag:$0x2] =	stream.indirect_vreg.gather [hbm4b:s5+s3], $0x80, v4, vm0, $0xb8;
	[tilespmem:$0x18100] =	vst v63  }
0x63: {  	s17 =	simm.s32 $0xD100;
	v3 =	vadd.s32 v1, v3  }
0x64: {  	[tilespmem:s17], [sflag:$0x2] =	stream.indirect_vreg.gather [hbm4b:s6+s3], $0x80, v4, vm0, $0xb8;
	[tilespmem:$0x18100] =	vst v63  }
0x65: {  	s8 =	simm.s32 $0xD900  }
0x66: {  	[tilespmem:s8], [sflag:$0x2] =	stream.indirect_vreg.gather [hbm4b:s7+s3], $0x80, v4, vm0, $0xb8;
	[tilespmem:$0x18100] =	vst v63  }
0x67: {  	s17 =	simm.s32 $0xE100  }
0x68: {  	[tilespmem:s17], [sflag:$0x2] =	stream.indirect_vreg.gather [hbm4b:s2+s3], $0x80, v3, vm0, $0xb8;
	[tilespmem:$0x18100] =	vst v63  }
0x69: {  	s8 =	simm.s32 $0xE900  }
0x6a: {  	[tilespmem:s8], [sflag:$0x2] =	stream.indirect_vreg.gather [hbm4b:s5+s3], $0x80, v3, vm0, $0xb8;
	[tilespmem:$0x18100] =	vst v63  }
0x6b: {  	s17 =	simm.s32 $0xF100  }
0x6c: {  	[tilespmem:s17], [sflag:$0x2] =	stream.indirect_vreg.gather [hbm4b:s6+s3], $0x80, v3, vm0, $0xb8;
	[tilespmem:$0x18100] =	vst v63  }
0x6d: {  	s8 =	simm.s32 $0xF900  }
0x6e: {  	[tilespmem:s8], [sflag:$0x2] =	stream.indirect_vreg.gather [hbm4b:s7+s3], $0x80, v3, vm0, $0xb8;
	[tilespmem:$0x18100] =	vst v63  }
0x6f: {  	v3 =	vld [tilespmem:$0x40];
	_ =	sdelay $0x4  }
0x70: {  	v56 =	vshll.u32 v3, $0x3  }
0x71: {  	v3 =	vand.u32 $0x7, v3;
	v4 =	vand.u32 $0xFFFFFFC0, v56  }
0x72: {  	v3 =	vor.u32 v3, v4  }
0x73: {  	v4 =	vperm.xlane v3, v0;
	_ =	sdelay $0x1  }
0x74: {  	v4 =	vadd.s32 v1, v4;
	_ =	sdelay $0x3  }
0x75: {  	s17 =	simm.s32 $0x10100  }
0x76: {  	[tilespmem:s17], [sflag:$0x2] =	stream.indirect_vreg.gather [hbm4b:s2+s3], $0x80, v4, vm0, $0xb8;
	[tilespmem:$0x18100] =	vst v63  }
0x77: {  	s8 =	simm.s32 $0x10900;
	v3 =	vperm.xlane v3, v2  }
0x78: {  	[tilespmem:s8], [sflag:$0x2] =	stream.indirect_vreg.gather [hbm4b:s5+s3], $0x80, v4, vm0, $0xb8;
	[tilespmem:$0x18100] =	vst v63  }
0x79: {  	v3 =	vadd.s32 v1, v3;
	s17 =	simm.s32 $0x11100  }
0x7a: {  	[tilespmem:s17], [sflag:$0x2] =	stream.indirect_vreg.gather [hbm4b:s6+s3], $0x80, v4, vm0, $0xb8;
	[tilespmem:$0x18100] =	vst v63  }
0x7b: {  	s8 =	simm.s32 $0x11900  }
0x7c: {  	[tilespmem:s8], [sflag:$0x2] =	stream.indirect_vreg.gather [hbm4b:s7+s3], $0x80, v4, vm0, $0xb8;
	[tilespmem:$0x18100] =	vst v63  }
0x7d: {  	s17 =	simm.s32 $0x12100  }
0x7e: {  	[tilespmem:s17], [sflag:$0x2] =	stream.indirect_vreg.gather [hbm4b:s2+s3], $0x80, v3, vm0, $0xb8;
	[tilespmem:$0x18100] =	vst v63  }
0x7f: {  	s8 =	simm.s32 $0x12900  }
0x80: {  	[tilespmem:s8], [sflag:$0x2] =	stream.indirect_vreg.gather [hbm4b:s5+s3], $0x80, v3, vm0, $0xb8;
	[tilespmem:$0x18100] =	vst v63  }
0x81: {  	s17 =	simm.s32 $0x13100  }
0x82: {  	[tilespmem:s17], [sflag:$0x2] =	stream.indirect_vreg.gather [hbm4b:s6+s3], $0x80, v3, vm0, $0xb8;
	[tilespmem:$0x18100] =	vst v63  }
0x83: {  	s8 =	simm.s32 $0x13900  }
0x84: {  	[tilespmem:s8], [sflag:$0x2] =	stream.indirect_vreg.gather [hbm4b:s7+s3], $0x80, v3, vm0, $0xb8;
	[tilespmem:$0x18100] =	vst v63  }
0x85: {  	v3 =	vld [tilespmem:$0x50];
	_ =	sdelay $0x4  }
0x86: {  	v57 =	vshll.u32 v3, $0x3  }
0x87: {  	v3 =	vand.u32 $0x7, v3;
	v4 =	vand.u32 $0xFFFFFFC0, v57  }
0x88: {  	v3 =	vor.u32 v3, v4  }
0x89: {  	v4 =	vperm.xlane v3, v0;
	_ =	sdelay $0x1  }
0x8a: {  	v4 =	vadd.s32 v1, v4;
	_ =	sdelay $0x3  }
0x8b: {  	s17 =	simm.s32 $0x14100  }
0x8c: {  	[tilespmem:s17], [sflag:$0x2] =	stream.indirect_vreg.gather [hbm4b:s2+s3], $0x80, v4, vm0, $0xb8;
	[tilespmem:$0x18100] =	vst v63  }
0x8d: {  	s8 =	simm.s32 $0x14900;
	v3 =	vperm.xlane v3, v2  }
0x8e: {  	[tilespmem:s8], [sflag:$0x2] =	stream.indirect_vreg.gather [hbm4b:s5+s3], $0x80, v4, vm0, $0xb8;
	[tilespmem:$0x18100] =	vst v63  }
0x8f: {  	v3 =	vadd.s32 v1, v3;
	s17 =	simm.s32 $0x15100  }
0x90: {  	[tilespmem:s17], [sflag:$0x2] =	stream.indirect_vreg.gather [hbm4b:s6+s3], $0x80, v4, vm0, $0xb8;
	[tilespmem:$0x18100] =	vst v63  }
0x91: {  	s8 =	simm.s32 $0x15900  }
0x92: {  	[tilespmem:s8], [sflag:$0x2] =	stream.indirect_vreg.gather [hbm4b:s7+s3], $0x80, v4, vm0, $0xb8;
	[tilespmem:$0x18100] =	vst v63  }
0x93: {  	s17 =	simm.s32 $0x16100  }
0x94: {  	[tilespmem:s17], [sflag:$0x2] =	stream.indirect_vreg.gather [hbm4b:s2+s3], $0x80, v3, vm0, $0xb8;
	[tilespmem:$0x18100] =	vst v63  }
0x95: {  	s8 =	simm.s32 $0x16900  }
0x96: {  	[tilespmem:s8], [sflag:$0x2] =	stream.indirect_vreg.gather [hbm4b:s5+s3], $0x80, v3, vm0, $0xb8;
	[tilespmem:$0x18100] =	vst v63  }
0x97: {  	s17 =	simm.s32 $0x17100  }
0x98: {  	[tilespmem:s17], [sflag:$0x2] =	stream.indirect_vreg.gather [hbm4b:s6+s3], $0x80, v3, vm0, $0xb8;
	[tilespmem:$0x18100] =	vst v63  }
0x99: {  	s0 =	simm.s32 $0x1;
	s8 =	simm.s32 $0x17900  }
0x9a: {  	[tilespmem:s8], [sflag:$0x2] =	stream.indirect_vreg.gather [hbm4b:s7+s3], $0x80, v3, vm0, $0xb8;
	[tilespmem:$0x18100] =	vst v63  }
0x9b: {  	_ =	swait.ge [sflag:s0], $0xC000  }
0x9c: {  	[sflag:s0] =	ssyncset.done $0x0  }
0x9d: {  	s8 =	simm.s32 $0x100;
	s17 =	rddreg [dreg:$0x7];
	[sflag:s0] =	ssyncadd.s32 $0xFFFF4000  }
0x9e: {  	[hbm4b:s17+s3] =	stream.linear.scatter [tilespmem:s8], [sflag:$0x3], $0xC000, $0x38;
	[tilespmem:$0x18100] =	vst v63  }
0x9f: {  	_ =	swait.ge [sflag:s1], $0xC000  }
0xa0: {  	[sflag:s1] =	ssyncset.done $0x0  }
0xa1: {  	[sflag:s1] =	ssyncadd.s32 $0xFFFF4000  }
0xa2: {  	v3 =	vld [tilespmem:$0x60];
	_ =	sdelay $0x4  }
0xa3: {  	v58 =	vshll.u32 v3, $0x3  }
0xa4: {  	v3 =	vand.u32 $0x7, v3;
	v4 =	vand.u32 $0xFFFFFFC0, v58  }
0xa5: {  	v3 =	vor.u32 v3, v4  }
0xa6: {  	v4 =	vperm.xlane v3, v0;
	_ =	sdelay $0x1  }
0xa7: {  	v4 =	vadd.s32 v1, v4;
	_ =	sdelay $0x4  }
0xa8: {  	[tilespmem:s8], [sflag:$0x1] =	stream.indirect_vreg.gather [hbm4b:s2+s3], $0x80, v4, vm0, $0xb8;
	[tilespmem:$0x18100] =	vst v63  }
0xa9: {  	v3 =	vperm.xlane v3, v2  }
0xaa: {  	[tilespmem:s18], [sflag:$0x1] =	stream.indirect_vreg.gather [hbm4b:s5+s3], $0x80, v4, vm0, $0xb8;
	[tilespmem:$0x18100] =	vst v63  }
0xab: {  	v3 =	vadd.s32 v1, v3  }
0xac: {  	[tilespmem:s19], [sflag:$0x1] =	stream.indirect_vreg.gather [hbm4b:s6+s3], $0x80, v4, vm0, $0xb8;
	[tilespmem:$0x18100] =	vst v63  }
0xad: {  	_ = 	snop  }
0xae: {  	[tilespmem:s20], [sflag:$0x1] =	stream.indirect_vreg.gather [hbm4b:s7+s3], $0x80, v4, vm0, $0xb8;
	[tilespmem:$0x18100] =	vst v63  }
0xaf: {  	_ = 	snop  }
0xb0: {  	[tilespmem:s21], [sflag:$0x1] =	stream.indirect_vreg.gather [hbm4b:s2+s3], $0x80, v3, vm0, $0xb8;
	[tilespmem:$0x18100] =	vst v63  }
0xb1: {  	_ = 	snop  }
0xb2: {  	[tilespmem:s22], [sflag:$0x1] =	stream.indirect_vreg.gather [hbm4b:s5+s3], $0x80, v3, vm0, $0xb8;
	[tilespmem:$0x18100] =	vst v63  }
0xb3: {  	_ = 	snop  }
0xb4: {  	[tilespmem:s23], [sflag:$0x1] =	stream.indirect_vreg.gather [hbm4b:s6+s3], $0x80, v3, vm0, $0xb8;
	[tilespmem:$0x18100] =	vst v63  }
0xb5: {  	_ = 	snop  }
0xb6: {  	[tilespmem:s24], [sflag:$0x1] =	stream.indirect_vreg.gather [hbm4b:s7+s3], $0x80, v3, vm0, $0xb8;
	[tilespmem:$0x18100] =	vst v63  }
0xb7: {  	v3 =	vld [tilespmem:$0x70];
	_ =	sdelay $0x4  }
0xb8: {  	v59 =	vshll.u32 v3, $0x3  }
0xb9: {  	v3 =	vand.u32 $0x7, v3;
	v4 =	vand.u32 $0xFFFFFFC0, v59  }
0xba: {  	v3 =	vor.u32 v3, v4  }
0xbb: {  	v4 =	vperm.xlane v3, v0;
	_ =	sdelay $0x1  }
0xbc: {  	v4 =	vadd.s32 v1, v4;
	_ =	sdelay $0x4  }
0xbd: {  	[tilespmem:s25], [sflag:$0x1] =	stream.indirect_vreg.gather [hbm4b:s2+s3], $0x80, v4, vm0, $0xb8;
	[tilespmem:$0x18100] =	vst v63  }
0xbe: {  	v3 =	vperm.xlane v3, v2  }
0xbf: {  	[tilespmem:s26], [sflag:$0x1] =	stream.indirect_vreg.gather [hbm4b:s5+s3], $0x80, v4, vm0, $0xb8;
	[tilespmem:$0x18100] =	vst v63  }
0xc0: {  	v3 =	vadd.s32 v1, v3  }
0xc1: {  	[tilespmem:s28], [sflag:$0x1] =	stream.indirect_vreg.gather [hbm4b:s6+s3], $0x80, v4, vm0, $0xb8;
	[tilespmem:$0x18100] =	vst v63  }
0xc2: {  	_ = 	snop  }
0xc3: {  	[tilespmem:s29], [sflag:$0x1] =	stream.indirect_vreg.gather [hbm4b:s7+s3], $0x80, v4, vm0, $0xb8;
	[tilespmem:$0x18100] =	vst v63  }
0xc4: {  	_ = 	snop  }
0xc5: {  	[tilespmem:s30], [sflag:$0x1] =	stream.indirect_vreg.gather [hbm4b:s2+s3], $0x80, v3, vm0, $0xb8;
	[tilespmem:$0x18100] =	vst v63  }
0xc6: {  	_ = 	snop  }
0xc7: {  	[tilespmem:s31], [sflag:$0x1] =	stream.indirect_vreg.gather [hbm4b:s5+s3], $0x80, v3, vm0, $0xb8;
	[tilespmem:$0x18100] =	vst v63  }
0xc8: {  	s17 =	simm.s32 $0x7100  }
0xc9: {  	[tilespmem:s17], [sflag:$0x1] =	stream.indirect_vreg.gather [hbm4b:s6+s3], $0x80, v3, vm0, $0xb8;
	[tilespmem:$0x18100] =	vst v63  }
0xca: {  	s17 =	simm.s32 $0x7900  }
0xcb: {  	[tilespmem:s17], [sflag:$0x1] =	stream.indirect_vreg.gather [hbm4b:s7+s3], $0x80, v3, vm0, $0xb8;
	[tilespmem:$0x18100] =	vst v63  }
0xcc: {  	v3 =	vld [tilespmem:$0x80];
	_ =	sdelay $0x4  }
0xcd: {  	v60 =	vshll.u32 v3, $0x3  }
0xce: {  	v3 =	vand.u32 $0x7, v3;
	v4 =	vand.u32 $0xFFFFFFC0, v60  }
0xcf: {  	v3 =	vor.u32 v3, v4  }
0xd0: {  	v4 =	vperm.xlane v3, v0;
	_ =	sdelay $0x1  }
0xd1: {  	v4 =	vadd.s32 v1, v4;
	_ =	sdelay $0x4  }
0xd2: {  	[tilespmem:s4], [sflag:$0x1] =	stream.indirect_vreg.gather [hbm4b:s2+s3], $0x80, v4, vm0, $0xb8;
	[tilespmem:$0x18100] =	vst v63  }
0xd3: {  	v3 =	vperm.xlane v3, v2  }
0xd4: {  	[tilespmem:s12], [sflag:$0x1] =	stream.indirect_vreg.gather [hbm4b:s5+s3], $0x80, v4, vm0, $0xb8;
	[tilespmem:$0x18100] =	vst v63  }
0xd5: {  	v3 =	vadd.s32 v1, v3  }
0xd6: {  	[tilespmem:s9], [sflag:$0x1] =	stream.indirect_vreg.gather [hbm4b:s6+s3], $0x80, v4, vm0, $0xb8;
	[tilespmem:$0x18100] =	vst v63  }
0xd7: {  	s8 =	simm.s32 $0x9900  }
0xd8: {  	[tilespmem:s8], [sflag:$0x1] =	stream.indirect_vreg.gather [hbm4b:s7+s3], $0x80, v4, vm0, $0xb8;
	[tilespmem:$0x18100] =	vst v63  }
0xd9: {  	_ = 	snop  }
0xda: {  	[tilespmem:s11], [sflag:$0x1] =	stream.indirect_vreg.gather [hbm4b:s2+s3], $0x80, v3, vm0, $0xb8;
	[tilespmem:$0x18100] =	vst v63  }
0xdb: {  	_ = 	snop  }
0xdc: {  	[tilespmem:s13], [sflag:$0x1] =	stream.indirect_vreg.gather [hbm4b:s5+s3], $0x80, v3, vm0, $0xb8;
	[tilespmem:$0x18100] =	vst v63  }
0xdd: {  	_ = 	snop  }
0xde: {  	[tilespmem:s14], [sflag:$0x1] =	stream.indirect_vreg.gather [hbm4b:s6+s3], $0x80, v3, vm0, $0xb8;
	[tilespmem:$0x18100] =	vst v63  }
0xdf: {  	s4 =	simm.s32 $0x2  }
0xe0: {  	[tilespmem:s15], [sflag:$0x1] =	stream.indirect_vreg.gather [hbm4b:s7+s3], $0x80, v3, vm0, $0xb8;
	[tilespmem:$0x18100] =	vst v63  }
0xe1: {  	_ =	swait.ge [sflag:s4], $0xC000  }
0xe2: {  	[sflag:s4] =	ssyncset.done $0x0  }
0xe3: {  	s9 =	rddreg [dreg:$0x4];
	[sflag:s4] =	ssyncadd.s32 $0xFFFF4000  }
0xe4: {  	[hbm4b:s9+s3] =	stream.linear.scatter [tilespmem:s16], [sflag:$0x4], $0xC000, $0x38;
	[tilespmem:$0x18100] =	vst v63  }
0xe5: {  	s9 =	simm.s32 $0x4  }
0xe6: {  	_ =	swait.ge [sflag:s9], $0xC000  }
0xe7: {  	[sflag:s9] =	ssyncset.done $0x0  }
0xe8: {  	[sflag:s9] =	ssyncadd.s32 $0xFFFF4000  }
0xe9: {  	v3 =	vld [tilespmem:$0x90];
	_ =	sdelay $0x4  }
0xea: {  	v61 =	vshll.u32 v3, $0x3  }
0xeb: {  	v3 =	vand.u32 $0x7, v3;
	v4 =	vand.u32 $0xFFFFFFC0, v61  }
0xec: {  	v3 =	vor.u32 v3, v4  }
0xed: {  	v4 =	vperm.xlane v3, v0;
	_ =	sdelay $0x1  }
0xee: {  	v4 =	vadd.s32 v1, v4;
	_ =	sdelay $0x4  }
0xef: {  	[tilespmem:s16], [sflag:$0x2] =	stream.indirect_vreg.gather [hbm4b:s2+s3], $0x80, v4, vm0, $0xb8;
	[tilespmem:$0x18100] =	vst v63  }
0xf0: {  	s17 =	simm.s32 $0xC900;
	v3 =	vperm.xlane v3, v2  }
0xf1: {  	[tilespmem:s17], [sflag:$0x2] =	stream.indirect_vreg.gather [hbm4b:s5+s3], $0x80, v4, vm0, $0xb8;
	[tilespmem:$0x18100] =	vst v63  }
0xf2: {  	v3 =	vadd.s32 v1, v3;
	s17 =	simm.s32 $0xD100  }
0xf3: {  	[tilespmem:s17], [sflag:$0x2] =	stream.indirect_vreg.gather [hbm4b:s6+s3], $0x80, v4, vm0, $0xb8;
	[tilespmem:$0x18100] =	vst v63  }
0xf4: {  	s17 =	simm.s32 $0xD900  }
0xf5: {  	[tilespmem:s17], [sflag:$0x2] =	stream.indirect_vreg.gather [hbm4b:s7+s3], $0x80, v4, vm0, $0xb8;
	[tilespmem:$0x18100] =	vst v63  }
0xf6: {  	s17 =	simm.s32 $0xE100  }
0xf7: {  	[tilespmem:s17], [sflag:$0x2] =	stream.indirect_vreg.gather [hbm4b:s2+s3], $0x80, v3, vm0, $0xb8;
	[tilespmem:$0x18100] =	vst v63  }
0xf8: {  	s17 =	simm.s32 $0xE900  }
0xf9: {  	[tilespmem:s17], [sflag:$0x2] =	stream.indirect_vreg.gather [hbm4b:s5+s3], $0x80, v3, vm0, $0xb8;
	[tilespmem:$0x18100] =	vst v63  }
0xfa: {  	s17 =	simm.s32 $0xF100  }
0xfb: {  	[tilespmem:s17], [sflag:$0x2] =	stream.indirect_vreg.gather [hbm4b:s6+s3], $0x80, v3, vm0, $0xb8;
	[tilespmem:$0x18100] =	vst v63  }
0xfc: {  	s17 =	simm.s32 $0xF900  }
0xfd: {  	[tilespmem:s17], [sflag:$0x2] =	stream.indirect_vreg.gather [hbm4b:s7+s3], $0x80, v3, vm0, $0xb8;
	[tilespmem:$0x18100] =	vst v63  }
0xfe: {  	v3 =	vld [tilespmem:$0xA0];
	_ =	sdelay $0x4  }
0xff: {  	v62 =	vshll.u32 v3, $0x3  }
0x100: {  	v3 =	vand.u32 $0x7, v3;
	v4 =	vand.u32 $0xFFFFFFC0, v62  }
0x101: {  	v3 =	vor.u32 v3, v4  }
0x102: {  	v4 =	vperm.xlane v3, v0;
	_ =	sdelay $0x1  }
0x103: {  	v4 =	vadd.s32 v1, v4;
	_ =	sdelay $0x3  }
0x104: {  	s17 =	simm.s32 $0x10100  }
0x105: {  	[tilespmem:s17], [sflag:$0x2] =	stream.indirect_vreg.gather [hbm4b:s2+s3], $0x80, v4, vm0, $0xb8;
	[tilespmem:$0x18100] =	vst v63  }
0x106: {  	v3 =	vperm.xlane v3, v2;
	s17 =	simm.s32 $0x10900  }
0x107: {  	[tilespmem:s17], [sflag:$0x2] =	stream.indirect_vreg.gather [hbm4b:s5+s3], $0x80, v4, vm0, $0xb8;
	[tilespmem:$0x18100] =	vst v63  }
0x108: {  	v3 =	vadd.s32 v1, v3;
	s17 =	simm.s32 $0x11100  }
0x109: {  	[tilespmem:s17], [sflag:$0x2] =	stream.indirect_vreg.gather [hbm4b:s6+s3], $0x80, v4, vm0, $0xb8;
	[tilespmem:$0x18100] =	vst v63  }
0x10a: {  	s17 =	simm.s32 $0x11900  }
0x10b: {  	[tilespmem:s17], [sflag:$0x2] =	stream.indirect_vreg.gather [hbm4b:s7+s3], $0x80, v4, vm0, $0xb8;
	[tilespmem:$0x18100] =	vst v63  }
0x10c: {  	s17 =	simm.s32 $0x12100  }
0x10d: {  	[tilespmem:s17], [sflag:$0x2] =	stream.indirect_vreg.gather [hbm4b:s2+s3], $0x80, v3, vm0, $0xb8;
	[tilespmem:$0x18100] =	vst v63  }
0x10e: {  	s17 =	simm.s32 $0x12900  }
0x10f: {  	[tilespmem:s17], [sflag:$0x2] =	stream.indirect_vreg.gather [hbm4b:s5+s3], $0x80, v3, vm0, $0xb8;
	[tilespmem:$0x18100] =	vst v63  }
0x110: {  	s17 =	simm.s32 $0x13100  }
0x111: {  	[tilespmem:s17], [sflag:$0x2] =	stream.indirect_vreg.gather [hbm4b:s6+s3], $0x80, v3, vm0, $0xb8;
	[tilespmem:$0x18100] =	vst v63  }
0x112: {  	s17 =	simm.s32 $0x13900  }
0x113: {  	[tilespmem:s17], [sflag:$0x2] =	stream.indirect_vreg.gather [hbm4b:s7+s3], $0x80, v3, vm0, $0xb8;
	[tilespmem:$0x18100] =	vst v63  }
0x114: {  	v3 =	vld [tilespmem:$0xB0];
	_ =	sdelay $0x4  }
0x115: {  	v63 =	vshll.u32 v3, $0x3  }
0x116: {  	v3 =	vand.u32 $0x7, v3;
	v4 =	vand.u32 $0xFFFFFFC0, v63  }
0x117: {  	v3 =	vor.u32 v3, v4  }
0x118: {  	v4 =	vperm.xlane v3, v0;
	_ =	sdelay $0x1  }
0x119: {  	v4 =	vadd.s32 v1, v4;
	_ =	sdelay $0x3  }
0x11a: {  	s17 =	simm.s32 $0x14100  }
0x11b: {  	[tilespmem:s17], [sflag:$0x2] =	stream.indirect_vreg.gather [hbm4b:s2+s3], $0x80, v4, vm0, $0xb8;
	[tilespmem:$0x18100] =	vst v63  }
0x11c: {  	v3 =	vperm.xlane v3, v2;
	s17 =	simm.s32 $0x14900  }
0x11d: {  	[tilespmem:s17], [sflag:$0x2] =	stream.indirect_vreg.gather [hbm4b:s5+s3], $0x80, v4, vm0, $0xb8;
	[tilespmem:$0x18100] =	vst v63  }
0x11e: {  	v3 =	vadd.s32 v1, v3;
	s17 =	simm.s32 $0x15100  }
0x11f: {  	[tilespmem:s17], [sflag:$0x2] =	stream.indirect_vreg.gather [hbm4b:s6+s3], $0x80, v4, vm0, $0xb8;
	[tilespmem:$0x18100] =	vst v63  }
0x120: {  	s17 =	simm.s32 $0x15900  }
0x121: {  	[tilespmem:s17], [sflag:$0x2] =	stream.indirect_vreg.gather [hbm4b:s7+s3], $0x80, v4, vm0, $0xb8;
	[tilespmem:$0x18100] =	vst v63  }
0x122: {  	s17 =	simm.s32 $0x16100  }
0x123: {  	[tilespmem:s17], [sflag:$0x2] =	stream.indirect_vreg.gather [hbm4b:s2+s3], $0x80, v3, vm0, $0xb8;
	[tilespmem:$0x18100] =	vst v63  }
0x124: {  	s17 =	simm.s32 $0x16900  }
0x125: {  	[tilespmem:s17], [sflag:$0x2] =	stream.indirect_vreg.gather [hbm4b:s5+s3], $0x80, v3, vm0, $0xb8;
	[tilespmem:$0x18100] =	vst v63  }
0x126: {  	s17 =	simm.s32 $0x17100  }
0x127: {  	[tilespmem:s17], [sflag:$0x2] =	stream.indirect_vreg.gather [hbm4b:s6+s3], $0x80, v3, vm0, $0xb8;
	[tilespmem:$0x18100] =	vst v63  }
0x128: {  	s17 =	simm.s32 $0x17900  }
0x129: {  	[tilespmem:s17], [sflag:$0x2] =	stream.indirect_vreg.gather [hbm4b:s7+s3], $0x80, v3, vm0, $0xb8;
	[tilespmem:$0x18100] =	vst v63  }
0x12a: {  	_ =	swait.ge [sflag:s0], $0xC000  }
0x12b: {  	[sflag:s0] =	ssyncset.done $0x0  }
0x12c: {  	s8 =	simm.s32 $0x100;
	s17 =	rddreg [dreg:$0x5];
	[sflag:s0] =	ssyncadd.s32 $0xFFFF4000  }
0x12d: {  	[hbm4b:s17+s3] =	stream.linear.scatter [tilespmem:s8], [sflag:$0x3], $0xC000, $0x38;
	[tilespmem:$0x18100] =	vst v63  }
0x12e: {  	_ =	swait.ge [sflag:s4], $0xC000  }
0x12f: {  	[sflag:s4] =	ssyncset.done $0x0  }
0x130: {  	s8 =	rddreg [dreg:$0x6];
	[sflag:s4] =	ssyncadd.s32 $0xFFFF4000  }
0x131: {  	[hbm4b:s8+s3] =	stream.linear.scatter [tilespmem:s16], [sflag:$0x4], $0xC000, $0x38;
	[tilespmem:$0x18100] =	vst v63  }
0x132: {  	p0 =	sne.s32 s10, $0x1;
	_ =	swait.ge [sflag:s1], $0xC000  }
.Ltmp0:
0x133: {  	[sflag:s1] =	ssyncset.done $0x0;
	(pc) =	sbr.rel @p0 .LBB2_1-.Ltmp0, $4  }
0x134: {  	[sflag:s1] =	ssyncadd.s32 $0xFFFF4000  }
0x135: {  	_ =	swait.ge [sflag:s9], $0xC000  }
0x136: {  	[sflag:s9] =	ssyncset.done $0x0  }
0x137: {  	s10 =	sadd.s32 $0xFFFFFFFF, s10;
	[sflag:s9] =	ssyncadd.s32 $0xFFFF4000  }
0x138: {  	_ =	sfence.sel $0x180000  }
0x139: {  	[bflag:$0x0] =	sbarrier.arrive $0xFFFF  }
0x13a: {  	_ =	strace $0x9000004A  }
0x13b: {  	s0 =	stileid.u32;
	[bflag:$0x2] =	sbarrier.arrive $0xFFFF  }
0x13c: {  	p0 =	sne.s32 s0, $0x0;
	s0 =	rddreg [dreg:$0x2]  }
0x13d: {  	s0 =	sadd.s32 @!p0 $0x100000, s0  }
0x13e: {  	[sflag:s0] =	ssyncadd.tile.s32 @!p0 $0x1;
	_ =	shalt  }
.Lfunc_end2:
_tile_overlayer_lowered:
.L_overlay_start_2:
0x13f: {  	(tag) =	ssettag $0x2  }
0x140: {  	s0 =	rddreg [dreg:$0x0];
	s2 =	stileid.u32  }
0x141: {  	s1 =	rddreg [dreg:$0x1];
	p0 =	sne.s32 s2, $0x0  }
0x142: {  	s3 =	rddreg [dreg:$0x2];
	[bflag:$0x3] =	sbarrier.arrive $0xFFFF;
	s2 =	simm.s32 @!p0 $0x1C05  }
0x143: {  	[timem:s3], [sflag:s2] =	dma.local @!p0 [hbm:s0], s1  }
0x144: {  	s0 =	simm.s32 @!p0 $0x5  }
0x145: {  	_ =	swait.ge @!p0 [sflag:s0], s1  }
0x146: {  	s1 =	ssub.s32 @!p0 $0x0, s1;
	[sflag:s0] =	ssyncset.done @!p0 $0x0  }
0x147: {  	[sflag:s0] =	ssyncadd.s32 @!p0 s1  }
0x148: {  	[bflag:$0x3] =	sbarrier.arrive $0xFFFF  }
0x149: {  	_ =	shalt  }

</sc_bundles>
